<compile_context>
chip_gen: v7x
topology: tpu7x:2x2x1
jax: 0.10.2.dev20260603
libtpu: 0.0.44.dev20260713+nightly
codegen_flags: <defaults>
</compile_context>

<pallas_src>
import jax
import jax.numpy as jnp
from jax import lax
from jax.experimental import pallas as pl
from jax.experimental.pallas import tpu as pltpu
from jax.experimental.pallas import tpu_sc as plsc

N = 10000
E = 320000
D_FEAT = 128
HIDDEN = 64
OUT = 2

NC = 2
NS = 16
NW = NC * NS
L = 16

_MESH = dict(core_axis_name="c", subcore_axis_name="s", num_cores=NC,
             num_subcores=NS)

EPW = E // NW
CE = 8000


def _zero_pair(ref_a, ref_b, n):
    def z(i, _):
        ref_a[pl.ds(i * L, L)] = jnp.zeros((L,), jnp.float32)
        ref_b[pl.ds(i * L, L)] = jnp.zeros((L,), jnp.float32)
        return 0
    lax.fori_loop(0, n // L, z, 0)



def _deg_body(src_hbm, dst_hbm, out_hbm, src_v, dst_v, hist_o, hist_i):
    cid = lax.axis_index("c")
    sid = lax.axis_index("s")
    wid = sid * NC + cid
    base = wid * EPW
    _zero_pair(hist_o, hist_i, N)
    pltpu.sync_copy(src_hbm.at[pl.ds(base, EPW)], src_v)
    pltpu.sync_copy(dst_hbm.at[pl.ds(base, EPW)], dst_v)
    ones = jnp.ones((L,), jnp.float32)

    def step(i, _):
        s = src_v[pl.ds(i * L, L)]
        d = dst_v[pl.ds(i * L, L)]
        plsc.addupdate_scatter(hist_o, [s], ones)
        plsc.addupdate_scatter(hist_i, [d], ones)
        return 0
    lax.fori_loop(0, EPW // L, step, 0)
    pltpu.sync_copy(hist_o, out_hbm.at[wid, 0])
    pltpu.sync_copy(hist_i, out_hbm.at[wid, 1])


def _deg_call(src, dst):
    return pl.kernel(
        _deg_body,
        out_type=jax.ShapeDtypeStruct((NW, 2, N), jnp.float32),
        mesh=plsc.VectorSubcoreMesh(**_MESH),
        compiler_params=pltpu.CompilerParams(needs_layout_passes=False),
        scratch_types=[
            pltpu.VMEM((EPW,), jnp.int32),
            pltpu.VMEM((EPW,), jnp.int32),
            pltpu.VMEM((N,), jnp.float32),
            pltpu.VMEM((N,), jnp.float32),
        ],
    )(src, dst)



def _prop1_body(hsT_hbm, src_hbm, dst_hbm, out_hbm,
                src_v, dst_v, col_a, col_b, acc_a, acc_b):
    cid = lax.axis_index("c")
    sid = lax.axis_index("s")
    wid = sid * NC + cid
    r0 = wid * 2
    pltpu.sync_copy(hsT_hbm.at[r0], col_a)
    pltpu.sync_copy(hsT_hbm.at[r0 + 1], col_b)
    _zero_pair(acc_a, acc_b, N)

    def chunk(c, _):
        pltpu.sync_copy(src_hbm.at[pl.ds(c * CE, CE)], src_v)
        pltpu.sync_copy(dst_hbm.at[pl.ds(c * CE, CE)], dst_v)

        def step(i, _):
            s = src_v[pl.ds(i * L, L)]
            d = dst_v[pl.ds(i * L, L)]
            va = plsc.load_gather(col_a, [s])
            vb = plsc.load_gather(col_b, [s])
            plsc.addupdate_scatter(acc_a, [d], va)
            plsc.addupdate_scatter(acc_b, [d], vb)
            return 0
        lax.fori_loop(0, CE // L, step, 0)
        return 0
    lax.fori_loop(0, E // CE, chunk, 0)
    pltpu.sync_copy(acc_a, out_hbm.at[r0])
    pltpu.sync_copy(acc_b, out_hbm.at[r0 + 1])


def _prop1_call(hsT, src, dst):
    return pl.kernel(
        _prop1_body,
        out_type=jax.ShapeDtypeStruct((HIDDEN, N), jnp.float32),
        mesh=plsc.VectorSubcoreMesh(**_MESH),
        compiler_params=pltpu.CompilerParams(needs_layout_passes=False),
        scratch_types=[
            pltpu.VMEM((CE,), jnp.int32),
            pltpu.VMEM((CE,), jnp.int32),
            pltpu.VMEM((N,), jnp.float32),
            pltpu.VMEM((N,), jnp.float32),
            pltpu.VMEM((N,), jnp.float32),
            pltpu.VMEM((N,), jnp.float32),
        ],
    )(hsT, src, dst)



def _prop2_body(gsT_hbm, src_hbm, dst_hbm, out_hbm,
                src_v, dst_v, tab_a, tab_b, acc_a, acc_b):
    cid = lax.axis_index("c")
    sid = lax.axis_index("s")
    wid = sid * NC + cid
    base = wid * EPW
    pltpu.sync_copy(gsT_hbm.at[0], tab_a)
    pltpu.sync_copy(gsT_hbm.at[1], tab_b)
    _zero_pair(acc_a, acc_b, N)
    pltpu.sync_copy(src_hbm.at[pl.ds(base, EPW)], src_v)
    pltpu.sync_copy(dst_hbm.at[pl.ds(base, EPW)], dst_v)

    def step(i, _):
        s = src_v[pl.ds(i * L, L)]
        d = dst_v[pl.ds(i * L, L)]
        va = plsc.load_gather(tab_a, [s])
        vb = plsc.load_gather(tab_b, [s])
        plsc.addupdate_scatter(acc_a, [d], va)
        plsc.addupdate_scatter(acc_b, [d], vb)
        return 0
    lax.fori_loop(0, EPW // L, step, 0)
    pltpu.sync_copy(acc_a, out_hbm.at[wid, 0])
    pltpu.sync_copy(acc_b, out_hbm.at[wid, 1])


def _prop2_call(gsT, src, dst):
    return pl.kernel(
        _prop2_body,
        out_type=jax.ShapeDtypeStruct((NW, 2, N), jnp.float32),
        mesh=plsc.VectorSubcoreMesh(**_MESH),
        compiler_params=pltpu.CompilerParams(needs_layout_passes=False),
        scratch_types=[
            pltpu.VMEM((EPW,), jnp.int32),
            pltpu.VMEM((EPW,), jnp.int32),
            pltpu.VMEM((N,), jnp.float32),
            pltpu.VMEM((N,), jnp.float32),
            pltpu.VMEM((N,), jnp.float32),
            pltpu.VMEM((N,), jnp.float32),
        ],
    )(gsT, src, dst)



def _tcA_body(x_ref, w1_ref, degp_ref, hsT_ref, norms_ref):
    dg = jnp.sum(degp_ref[...], axis=0)
    norms = jnp.where(dg > 0, lax.rsqrt(dg), 0.0)
    norms_ref[...] = norms
    hT = lax.dot_general(w1_ref[...], x_ref[...],
                         (((0,), (1,)), ((), ())),
                         preferred_element_type=jnp.float32)
    hsT_ref[...] = hT * norms[0:1]


def _tcA_call(x, W1, deg_parts):
    return pl.pallas_call(
        _tcA_body,
        out_shape=[
            jax.ShapeDtypeStruct((HIDDEN, N), jnp.float32),
            jax.ShapeDtypeStruct((2, N), jnp.float32),
        ],
    )(x, W1, deg_parts)


def _tcB_body(aggT_ref, norms_ref, b1_ref, w2_ref, gsT_ref):
    norms = norms_ref[...]
    h1T = jnp.maximum(aggT_ref[...] * norms[1:2] + b1_ref[...], 0.0)
    gT = lax.dot_general(w2_ref[...], h1T,
                         (((0,), (0,)), ((), ())),
                         preferred_element_type=jnp.float32)
    gsT_ref[...] = gT * norms[0:1]


def _tcB_call(aggT, norms, b1c, W2):
    return pl.pallas_call(
        _tcB_body,
        out_shape=jax.ShapeDtypeStruct((OUT, N), jnp.float32),
    )(aggT, norms, b1c, W2)


def _tcC_body(parts_ref, norms_ref, b2_ref, fcw_ref, fcb_ref, out_ref):
    agg2 = jnp.sum(parts_ref[...], axis=0)
    norms = norms_ref[...]
    h2 = jnp.maximum(agg2 * norms[1:2] + b2_ref[...], 0.0)
    s = jnp.sum(h2, axis=1, keepdims=True) * (1.0 / N)
    m = jnp.max(h2, axis=1, keepdims=True)
    stats = jnp.concatenate([s, m], axis=0)
    z = jnp.sum(stats * fcw_ref[...]) + fcb_ref[0, 0]
    out_ref[...] = jnp.reshape(1.0 / (1.0 + jnp.exp(-z)), (1, 1))


def _tcC_call(parts2, norms, b2c, fc_W, fc_bc):
    return pl.pallas_call(
        _tcC_body,
        out_shape=jax.ShapeDtypeStruct((1, 1), jnp.float32),
    )(parts2, norms, b2c, fc_W, fc_bc)


def kernel(x, edge_index, W1, b1, W2, b2, fc_W, fc_b):
    src = edge_index[0]
    dst = edge_index[1]
    deg_parts = _deg_call(src, dst)
    hsT, norms = _tcA_call(x, W1, deg_parts)
    aggT = _prop1_call(hsT, src, dst)
    gsT = _tcB_call(aggT, norms, b1.reshape(HIDDEN, 1), W2)
    parts2 = _prop2_call(gsT, src, dst)
    return _tcC_call(parts2, norms, b2.reshape(OUT, 1), fc_W,
                     fc_b.reshape(1, 1))

# --- scband reference (transcript-rebuilt; emitter-appended) ---
"""Pipeline reference for scband-ppimodel-37469294690488 (READ-ONLY COPY).

The authoritative reference and input builder live on the scoring server;
editing this copy changes nothing except your own understanding.
"""

import jax, jax.numpy as jnp
import numpy as np

N, E, D_FEAT, HIDDEN, OUT = 10000, 320000, 128, 64, 2


def setup_inputs(seed: int = 0) -> dict:
    key = jax.random.key(seed)
    ks = jax.random.split(key, 6)
    x = jax.random.normal(ks[0], (N, D_FEAT), dtype=jnp.float32)
    edge_index = jax.random.randint(ks[1], (2, E), 0, N, dtype=jnp.int32)
    W1 = jax.random.normal(ks[2], (D_FEAT, HIDDEN), dtype=jnp.float32) * (1.0 / np.sqrt(D_FEAT))
    b1 = jnp.zeros((HIDDEN,), dtype=jnp.float32)
    W2 = jax.random.normal(ks[3], (HIDDEN, OUT), dtype=jnp.float32) * (1.0 / np.sqrt(HIDDEN))
    b2 = jnp.zeros((OUT,), dtype=jnp.float32)
    fc_W = jax.random.normal(ks[4], (2 * OUT, 1), dtype=jnp.float32) * 0.5
    fc_b = jnp.zeros((1,), dtype=jnp.float32)
    return {"x": x, "edge_index": edge_index, "W1": W1, "b1": b1, "W2": W2, "b2": b2, "fc_W": fc_W, "fc_b": fc_b}


def _graph_conv(x, src, dst, W, b, n_nodes):
    # DGL GraphConv with norm='both': h = D_in^{-1/2} A D_out^{-1/2} X W + b
    ones = jnp.ones_like(src, dtype=jnp.float32)
    deg_out = jax.ops.segment_sum(ones, src, num_segments=n_nodes)
    deg_in = jax.ops.segment_sum(ones, dst, num_segments=n_nodes)
    norm_src = jnp.where(deg_out > 0, deg_out ** -0.5, 0.0)
    norm_dst = jnp.where(deg_in > 0, deg_in ** -0.5, 0.0)
    h = x @ W
    msg = h[src] * norm_src[src][:, None]
    agg = jax.ops.segment_sum(msg, dst, num_segments=n_nodes)
    return agg * norm_dst[:, None] + b


def reference(x, edge_index, W1, b1, W2, b2, fc_W, fc_b):
    n_nodes = x.shape[0]
    src = edge_index[0]
    dst = edge_index[1]
    h = jax.nn.relu(_graph_conv(x, src, dst, W1, b1, n_nodes))
    h = jax.nn.relu(_graph_conv(h, src, dst, W2, b2, n_nodes))
    avg = jnp.mean(h, axis=0, keepdims=True)   # AvgPooling readout over the single graph
    mx = jnp.max(h, axis=0, keepdims=True)     # MaxPooling readout
    pooled = jnp.concatenate([avg, mx], axis=-1)  # [1, 4]
    return jax.nn.sigmoid(pooled @ fc_W + fc_b)   # [1, 1]

if __name__ == "__main__":
    import jax
    _d = setup_inputs()
    print(jax.jit(kernel)(*tuple(_d.values())))

</pallas_src>

<mosaic_0001>
#map = affine_map<(d0, d1) -> (0, 0)>
#map1 = affine_map<(d0, d1) -> (0)>
module attributes {stable_mosaic.version = 14 : i64} {
  func.func @_prop1_body(%arg0: i32, %arg1: i32, %arg2: memref<64x10000xf32, #tpu.memory_space<hbm>>, %arg3: memref<320000xi32, #tpu.memory_space<hbm>>, %arg4: memref<320000xi32, #tpu.memory_space<hbm>>, %arg5: memref<64x10000xf32, #tpu.memory_space<hbm>>, %arg6: memref<8000xi32, #tpu.memory_space<vmem>>, %arg7: memref<8000xi32, #tpu.memory_space<vmem>>, %arg8: memref<10000xf32, #tpu.memory_space<vmem>>, %arg9: memref<10000xf32, #tpu.memory_space<vmem>>, %arg10: memref<10000xf32, #tpu.memory_space<vmem>>, %arg11: memref<10000xf32, #tpu.memory_space<vmem>>) attributes {dimension_semantics = [#tpu.dimension_semantics<core_parallel>, #tpu.dimension_semantics<subcore_parallel>], iteration_bounds = array<i64: 2, 16>, scalar_prefetch = 0 : i64, scratch_operands = 6 : i64, tpu.core_type = #tpu.core_type<sc_vector_subcore>, window_params = [{transform_indices = #map}, {transform_indices = #map1}, {transform_indices = #map1}, {transform_indices = #map}]} {
    %mul3A = arith.constant 2 : i32
    %mul3A_0 = arith.muli %arg1, %mul3A : i32
    %add3A = arith.addi %mul3A_0, %arg0 : i32
    %mul3A_1 = arith.constant 2 : i32
    %mul3A_2 = arith.muli %add3A, %mul3A_1 : i32
    "tpu.region"() ({
      %run_scoped3A = tpu.sem_alloc : memref<!tpu.dma_semaphore, #tpu.memory_space<semaphore_mem>>
      %dma_start3A = arith.constant 0 : i32
      %dma_start3A_20 = tpu.memref_slice %arg2[%mul3A_2, %dma_start3A] : memref<64x10000xf32, #tpu.memory_space<hbm>> -> memref<1x10000xf32, #tpu.memory_space<hbm>>
      %dma_start3A_21 = tpu.memref_squeeze %dma_start3A_20 : memref<1x10000xf32, #tpu.memory_space<hbm>> -> memref<10000xf32, #tpu.memory_space<hbm>>
      %dma_start3A_22 = arith.constant 0 : i32
      %dma_start3A_23 = tpu.memref_slice %arg2[%mul3A_2, %dma_start3A_22] : memref<64x10000xf32, #tpu.memory_space<hbm>> -> memref<1x10000xf32, #tpu.memory_space<hbm>>
      %dma_start3A_24 = tpu.memref_squeeze %dma_start3A_23 : memref<1x10000xf32, #tpu.memory_space<hbm>> -> memref<10000xf32, #tpu.memory_space<hbm>>
      tpu.enqueue_dma source(%dma_start3A_24 : memref<10000xf32, #tpu.memory_space<hbm>>) target(%arg8 : memref<10000xf32, #tpu.memory_space<vmem>>) target_semaphore(%run_scoped3A : memref<!tpu.dma_semaphore, #tpu.memory_space<semaphore_mem>>)
      %dma_wait3A = arith.constant 0 : i32
      %dma_wait3A_25 = tpu.memref_slice %arg2[%mul3A_2, %dma_wait3A] : memref<64x10000xf32, #tpu.memory_space<hbm>> -> memref<1x10000xf32, #tpu.memory_space<hbm>>
      %dma_wait3A_26 = tpu.memref_squeeze %dma_wait3A_25 : memref<1x10000xf32, #tpu.memory_space<hbm>> -> memref<10000xf32, #tpu.memory_space<hbm>>
      %dma_wait3A_27 = arith.constant 0 : i32
      %dma_wait3A_28 = tpu.memref_slice %arg2[%mul3A_2, %dma_wait3A_27] : memref<64x10000xf32, #tpu.memory_space<hbm>> -> memref<1x10000xf32, #tpu.memory_space<hbm>>
      %dma_wait3A_29 = tpu.memref_squeeze %dma_wait3A_28 : memref<1x10000xf32, #tpu.memory_space<hbm>> -> memref<10000xf32, #tpu.memory_space<hbm>>
      tpu.wait_dma2 semaphore(%run_scoped3A : memref<!tpu.dma_semaphore, #tpu.memory_space<semaphore_mem>>) src(%dma_wait3A_29 : memref<10000xf32, #tpu.memory_space<hbm>>) dst(%arg8 : memref<10000xf32, #tpu.memory_space<vmem>>)
      tpu.yield
    }) : () -> ()
    %add3A_3 = arith.constant 1 : i32
    %add3A_4 = arith.addi %mul3A_2, %add3A_3 : i32
    "tpu.region"() ({
      %run_scoped3A = tpu.sem_alloc : memref<!tpu.dma_semaphore, #tpu.memory_space<semaphore_mem>>
      %dma_start3A = arith.constant 0 : i32
      %dma_start3A_20 = tpu.memref_slice %arg2[%add3A_4, %dma_start3A] : memref<64x10000xf32, #tpu.memory_space<hbm>> -> memref<1x10000xf32, #tpu.memory_space<hbm>>
      %dma_start3A_21 = tpu.memref_squeeze %dma_start3A_20 : memref<1x10000xf32, #tpu.memory_space<hbm>> -> memref<10000xf32, #tpu.memory_space<hbm>>
      %dma_start3A_22 = arith.constant 0 : i32
      %dma_start3A_23 = tpu.memref_slice %arg2[%add3A_4, %dma_start3A_22] : memref<64x10000xf32, #tpu.memory_space<hbm>> -> memref<1x10000xf32, #tpu.memory_space<hbm>>
      %dma_start3A_24 = tpu.memref_squeeze %dma_start3A_23 : memref<1x10000xf32, #tpu.memory_space<hbm>> -> memref<10000xf32, #tpu.memory_space<hbm>>
      tpu.enqueue_dma source(%dma_start3A_24 : memref<10000xf32, #tpu.memory_space<hbm>>) target(%arg9 : memref<10000xf32, #tpu.memory_space<vmem>>) target_semaphore(%run_scoped3A : memref<!tpu.dma_semaphore, #tpu.memory_space<semaphore_mem>>)
      %dma_wait3A = arith.constant 0 : i32
      %dma_wait3A_25 = tpu.memref_slice %arg2[%add3A_4, %dma_wait3A] : memref<64x10000xf32, #tpu.memory_space<hbm>> -> memref<1x10000xf32, #tpu.memory_space<hbm>>
      %dma_wait3A_26 = tpu.memref_squeeze %dma_wait3A_25 : memref<1x10000xf32, #tpu.memory_space<hbm>> -> memref<10000xf32, #tpu.memory_space<hbm>>
      %dma_wait3A_27 = arith.constant 0 : i32
      %dma_wait3A_28 = tpu.memref_slice %arg2[%add3A_4, %dma_wait3A_27] : memref<64x10000xf32, #tpu.memory_space<hbm>> -> memref<1x10000xf32, #tpu.memory_space<hbm>>
      %dma_wait3A_29 = tpu.memref_squeeze %dma_wait3A_28 : memref<1x10000xf32, #tpu.memory_space<hbm>> -> memref<10000xf32, #tpu.memory_space<hbm>>
      tpu.wait_dma2 semaphore(%run_scoped3A : memref<!tpu.dma_semaphore, #tpu.memory_space<semaphore_mem>>) src(%dma_wait3A_29 : memref<10000xf32, #tpu.memory_space<hbm>>) dst(%arg9 : memref<10000xf32, #tpu.memory_space<vmem>>)
      tpu.yield
    }) : () -> ()
    %scan3A = arith.constant 0 : i32
    %scan3A_5 = arith.constant 0 : i32
    %scan3A_6 = arith.constant 625 : i32
    %scan3A_7 = arith.addi %scan3A_5, %scan3A_6 : i32
    %scan3A_8 = arith.constant 1 : i32
    %scan3A_9 = scf.for %scan3A_20 = %scan3A_5 to %scan3A_7 step %scan3A_8 iter_args(%scan3A_21 = %scan3A) -> (i32)  : i32 {
      %broadcast_in_dim3A = arith.constant 0.000000e+00 : f32
      %broadcast_in_dim3A_22 = vector.broadcast %broadcast_in_dim3A : f32 to vector<16xf32>
      %mul3A_23 = arith.constant 16 : i32
      %mul3A_24 = arith.muli %scan3A_20, %mul3A_23 : i32
      %swap3A = arith.index_cast %mul3A_24 : i32 to index
      %swap3A_25 = tpu.vector_load %arg10[%swap3A] {strides = array<i32>} : memref<10000xf32, #tpu.memory_space<vmem>>, vector<16xf32>,
      tpu.vector_store %arg10[%swap3A], %broadcast_in_dim3A_22 {strides = array<i32>} : memref<10000xf32, #tpu.memory_space<vmem>>, vector<16xf32>,
      %broadcast_in_dim3A_26 = arith.constant 0.000000e+00 : f32
      %broadcast_in_dim3A_27 = vector.broadcast %broadcast_in_dim3A_26 : f32 to vector<16xf32>
      %mul3A_28 = arith.constant 16 : i32
      %mul3A_29 = arith.muli %scan3A_20, %mul3A_28 : i32
      %swap3A_30 = arith.index_cast %mul3A_29 : i32 to index
      %swap3A_31 = tpu.vector_load %arg11[%swap3A_30] {strides = array<i32>} : memref<10000xf32, #tpu.memory_space<vmem>>, vector<16xf32>,
      tpu.vector_store %arg11[%swap3A_30], %broadcast_in_dim3A_27 {strides = array<i32>} : memref<10000xf32, #tpu.memory_space<vmem>>, vector<16xf32>,
      %scan3A_32 = arith.constant 0 : i32
      scf.yield %scan3A_32 : i32
    }
    %scan3A_10 = arith.constant 625 : i32
    %scan3A_11 = arith.constant 0 : i32
    %scan3A_12 = arith.constant 0 : i32
    %scan3A_13 = arith.constant 40 : i32
    %scan3A_14 = arith.addi %scan3A_12, %scan3A_13 : i32
    %scan3A_15 = arith.constant 1 : i32
    %scan3A_16 = scf.for %scan3A_20 = %scan3A_12 to %scan3A_14 step %scan3A_15 iter_args(%scan3A_21 = %scan3A_11) -> (i32)  : i32 {
      %mul3A_22 = arith.constant 8000 : i32
      %mul3A_23 = arith.muli %scan3A_20, %mul3A_22 : i32
      "tpu.region"() ({
        %run_scoped3A = tpu.sem_alloc : memref<!tpu.dma_semaphore, #tpu.memory_space<semaphore_mem>>
        %dma_start3A = tpu.memref_slice %arg3[%mul3A_23] : memref<320000xi32, #tpu.memory_space<hbm>> -> memref<8000xi32, #tpu.memory_space<hbm>>
        %dma_start3A_34 = tpu.memref_slice %arg3[%mul3A_23] : memref<320000xi32, #tpu.memory_space<hbm>> -> memref<8000xi32, #tpu.memory_space<hbm>>
        tpu.enqueue_dma source(%dma_start3A_34 : memref<8000xi32, #tpu.memory_space<hbm>>) target(%arg6 : memref<8000xi32, #tpu.memory_space<vmem>>) target_semaphore(%run_scoped3A : memref<!tpu.dma_semaphore, #tpu.memory_space<semaphore_mem>>)
        %dma_wait3A = tpu.memref_slice %arg3[%mul3A_23] : memref<320000xi32, #tpu.memory_space<hbm>> -> memref<8000xi32, #tpu.memory_space<hbm>>
        %dma_wait3A_35 = tpu.memref_slice %arg3[%mul3A_23] : memref<320000xi32, #tpu.memory_space<hbm>> -> memref<8000xi32, #tpu.memory_space<hbm>>
        tpu.wait_dma2 semaphore(%run_scoped3A : memref<!tpu.dma_semaphore, #tpu.memory_space<semaphore_mem>>) src(%dma_wait3A_35 : memref<8000xi32, #tpu.memory_space<hbm>>) dst(%arg6 : memref<8000xi32, #tpu.memory_space<vmem>>)
        tpu.yield
      }) : () -> ()
      %mul3A_24 = arith.constant 8000 : i32
      %mul3A_25 = arith.muli %scan3A_20, %mul3A_24 : i32
      "tpu.region"() ({
        %run_scoped3A = tpu.sem_alloc : memref<!tpu.dma_semaphore, #tpu.memory_space<semaphore_mem>>
        %dma_start3A = tpu.memref_slice %arg4[%mul3A_25] : memref<320000xi32, #tpu.memory_space<hbm>> -> memref<8000xi32, #tpu.memory_space<hbm>>
        %dma_start3A_34 = tpu.memref_slice %arg4[%mul3A_25] : memref<320000xi32, #tpu.memory_space<hbm>> -> memref<8000xi32, #tpu.memory_space<hbm>>
        tpu.enqueue_dma source(%dma_start3A_34 : memref<8000xi32, #tpu.memory_space<hbm>>) target(%arg7 : memref<8000xi32, #tpu.memory_space<vmem>>) target_semaphore(%run_scoped3A : memref<!tpu.dma_semaphore, #tpu.memory_space<semaphore_mem>>)
        %dma_wait3A = tpu.memref_slice %arg4[%mul3A_25] : memref<320000xi32, #tpu.memory_space<hbm>> -> memref<8000xi32, #tpu.memory_space<hbm>>
        %dma_wait3A_35 = tpu.memref_slice %arg4[%mul3A_25] : memref<320000xi32, #tpu.memory_space<hbm>> -> memref<8000xi32, #tpu.memory_space<hbm>>
        tpu.wait_dma2 semaphore(%run_scoped3A : memref<!tpu.dma_semaphore, #tpu.memory_space<semaphore_mem>>) src(%dma_wait3A_35 : memref<8000xi32, #tpu.memory_space<hbm>>) dst(%arg7 : memref<8000xi32, #tpu.memory_space<vmem>>)
        tpu.yield
      }) : () -> ()
      %scan3A_26 = arith.constant 0 : i32
      %scan3A_27 = arith.constant 0 : i32
      %scan3A_28 = arith.constant 500 : i32
      %scan3A_29 = arith.addi %scan3A_27, %scan3A_28 : i32
      %scan3A_30 = arith.constant 1 : i32
      %scan3A_31 = scf.for %scan3A_34 = %scan3A_27 to %scan3A_29 step %scan3A_30 iter_args(%scan3A_35 = %scan3A_26) -> (i32)  : i32 {
        %mul3A_36 = arith.constant 16 : i32
        %mul3A_37 = arith.muli %scan3A_34, %mul3A_36 : i32
        %get3A = arith.index_cast %mul3A_37 : i32 to index
        %get3A_38 = tpu.vector_load %arg6[%get3A] {strides = array<i32>} : memref<8000xi32, #tpu.memory_space<vmem>>, vector<16xi32>,
        %mul3A_39 = arith.constant 16 : i32
        %mul3A_40 = arith.muli %scan3A_34, %mul3A_39 : i32
        %get3A_41 = arith.index_cast %mul3A_40 : i32 to index
        %get3A_42 = tpu.vector_load %arg7[%get3A_41] {strides = array<i32>} : memref<8000xi32, #tpu.memory_space<vmem>>, vector<16xi32>,
        %gather3A = tpu.vector_load_idx %arg8[%get3A_38] : memref<10000xf32, #tpu.memory_space<vmem>>[vector<16xi32>], vector<16xf32>,
        %gather3A_43 = tpu.vector_load_idx %arg9[%get3A_38] : memref<10000xf32, #tpu.memory_space<vmem>>[vector<16xi32>], vector<16xf32>,
        tpu.vector_store_idx %arg10[%get3A_42], %gather3A {add = true} : memref<10000xf32, #tpu.memory_space<vmem>>[vector<16xi32>], vector<16xf32>,
        tpu.vector_store_idx %arg11[%get3A_42], %gather3A_43 {add = true} : memref<10000xf32, #tpu.memory_space<vmem>>[vector<16xi32>], vector<16xf32>,
        %scan3A_44 = arith.constant 0 : i32
        scf.yield %scan3A_44 : i32
      }
      %scan3A_32 = arith.constant 500 : i32
      %scan3A_33 = arith.constant 0 : i32
      scf.yield %scan3A_33 : i32
    }
    %scan3A_17 = arith.constant 40 : i32
    "tpu.region"() ({
      %run_scoped3A = tpu.sem_alloc : memref<!tpu.dma_semaphore, #tpu.memory_space<semaphore_mem>>
      %dma_start3A = arith.constant 0 : i32
      %dma_start3A_20 = tpu.memref_slice %arg5[%mul3A_2, %dma_start3A] : memref<64x10000xf32, #tpu.memory_space<hbm>> -> memref<1x10000xf32, #tpu.memory_space<hbm>>
      %dma_start3A_21 = tpu.memref_squeeze %dma_start3A_20 : memref<1x10000xf32, #tpu.memory_space<hbm>> -> memref<10000xf32, #tpu.memory_space<hbm>>
      %dma_start3A_22 = arith.constant 0 : i32
      %dma_start3A_23 = tpu.memref_slice %arg5[%mul3A_2, %dma_start3A_22] : memref<64x10000xf32, #tpu.memory_space<hbm>> -> memref<1x10000xf32, #tpu.memory_space<hbm>>
      %dma_start3A_24 = tpu.memref_squeeze %dma_start3A_23 : memref<1x10000xf32, #tpu.memory_space<hbm>> -> memref<10000xf32, #tpu.memory_space<hbm>>
      tpu.enqueue_dma source(%arg10 : memref<10000xf32, #tpu.memory_space<vmem>>) target(%dma_start3A_24 : memref<10000xf32, #tpu.memory_space<hbm>>) target_semaphore(%run_scoped3A : memref<!tpu.dma_semaphore, #tpu.memory_space<semaphore_mem>>)
      %dma_wait3A = arith.constant 0 : i32
      %dma_wait3A_25 = tpu.memref_slice %arg5[%mul3A_2, %dma_wait3A] : memref<64x10000xf32, #tpu.memory_space<hbm>> -> memref<1x10000xf32, #tpu.memory_space<hbm>>
      %dma_wait3A_26 = tpu.memref_squeeze %dma_wait3A_25 : memref<1x10000xf32, #tpu.memory_space<hbm>> -> memref<10000xf32, #tpu.memory_space<hbm>>
      %dma_wait3A_27 = arith.constant 0 : i32
      %dma_wait3A_28 = tpu.memref_slice %arg5[%mul3A_2, %dma_wait3A_27] : memref<64x10000xf32, #tpu.memory_space<hbm>> -> memref<1x10000xf32, #tpu.memory_space<hbm>>
      %dma_wait3A_29 = tpu.memref_squeeze %dma_wait3A_28 : memref<1x10000xf32, #tpu.memory_space<hbm>> -> memref<10000xf32, #tpu.memory_space<hbm>>
      tpu.wait_dma2 semaphore(%run_scoped3A : memref<!tpu.dma_semaphore, #tpu.memory_space<semaphore_mem>>) src(%arg10 : memref<10000xf32, #tpu.memory_space<vmem>>) dst(%dma_wait3A_29 : memref<10000xf32, #tpu.memory_space<hbm>>)
      tpu.yield
    }) : () -> ()
    %add3A_18 = arith.constant 1 : i32
    %add3A_19 = arith.addi %mul3A_2, %add3A_18 : i32
    "tpu.region"() ({
      %run_scoped3A = tpu.sem_alloc : memref<!tpu.dma_semaphore, #tpu.memory_space<semaphore_mem>>
      %dma_start3A = arith.constant 0 : i32
      %dma_start3A_20 = tpu.memref_slice %arg5[%add3A_19, %dma_start3A] : memref<64x10000xf32, #tpu.memory_space<hbm>> -> memref<1x10000xf32, #tpu.memory_space<hbm>>
      %dma_start3A_21 = tpu.memref_squeeze %dma_start3A_20 : memref<1x10000xf32, #tpu.memory_space<hbm>> -> memref<10000xf32, #tpu.memory_space<hbm>>
      %dma_start3A_22 = arith.constant 0 : i32
      %dma_start3A_23 = tpu.memref_slice %arg5[%add3A_19, %dma_start3A_22] : memref<64x10000xf32, #tpu.memory_space<hbm>> -> memref<1x10000xf32, #tpu.memory_space<hbm>>
      %dma_start3A_24 = tpu.memref_squeeze %dma_start3A_23 : memref<1x10000xf32, #tpu.memory_space<hbm>> -> memref<10000xf32, #tpu.memory_space<hbm>>
      tpu.enqueue_dma source(%arg11 : memref<10000xf32, #tpu.memory_space<vmem>>) target(%dma_start3A_24 : memref<10000xf32, #tpu.memory_space<hbm>>) target_semaphore(%run_scoped3A : memref<!tpu.dma_semaphore, #tpu.memory_space<semaphore_mem>>)
      %dma_wait3A = arith.constant 0 : i32
      %dma_wait3A_25 = tpu.memref_slice %arg5[%add3A_19, %dma_wait3A] : memref<64x10000xf32, #tpu.memory_space<hbm>> -> memref<1x10000xf32, #tpu.memory_space<hbm>>
      %dma_wait3A_26 = tpu.memref_squeeze %dma_wait3A_25 : memref<1x10000xf32, #tpu.memory_space<hbm>> -> memref<10000xf32, #tpu.memory_space<hbm>>
      %dma_wait3A_27 = arith.constant 0 : i32
      %dma_wait3A_28 = tpu.memref_slice %arg5[%add3A_19, %dma_wait3A_27] : memref<64x10000xf32, #tpu.memory_space<hbm>> -> memref<1x10000xf32, #tpu.memory_space<hbm>>
      %dma_wait3A_29 = tpu.memref_squeeze %dma_wait3A_28 : memref<1x10000xf32, #tpu.memory_space<hbm>> -> memref<10000xf32, #tpu.memory_space<hbm>>
      tpu.wait_dma2 semaphore(%run_scoped3A : memref<!tpu.dma_semaphore, #tpu.memory_space<semaphore_mem>>) src(%arg11 : memref<10000xf32, #tpu.memory_space<vmem>>) dst(%dma_wait3A_29 : memref<10000xf32, #tpu.memory_space<hbm>>)
      tpu.yield
    }) : () -> ()
    return
  }
}

#map = affine_map<(d0, d1) -> (0)>
#map1 = affine_map<(d0, d1) -> (0, 0, 0)>
module attributes {stable_mosaic.version = 14 : i64} {
  func.func @_deg_body(%arg0: i32, %arg1: i32, %arg2: memref<320000xi32, #tpu.memory_space<hbm>>, %arg3: memref<320000xi32, #tpu.memory_space<hbm>>, %arg4: memref<32x2x10000xf32, #tpu.memory_space<hbm>>, %arg5: memref<10000xi32, #tpu.memory_space<vmem>>, %arg6: memref<10000xi32, #tpu.memory_space<vmem>>, %arg7: memref<10000xf32, #tpu.memory_space<vmem>>, %arg8: memref<10000xf32, #tpu.memory_space<vmem>>) attributes {dimension_semantics = [#tpu.dimension_semantics<core_parallel>, #tpu.dimension_semantics<subcore_parallel>], iteration_bounds = array<i64: 2, 16>, scalar_prefetch = 0 : i64, scratch_operands = 4 : i64, tpu.core_type = #tpu.core_type<sc_vector_subcore>, window_params = [{transform_indices = #map}, {transform_indices = #map}, {transform_indices = #map1}]} {
    %mul3A = arith.constant 2 : i32
    %mul3A_0 = arith.muli %arg1, %mul3A : i32
    %add3A = arith.addi %mul3A_0, %arg0 : i32
    %mul3A_1 = arith.constant 10000 : i32
    %mul3A_2 = arith.muli %add3A, %mul3A_1 : i32
    %scan3A = arith.constant 0 : i32
    %scan3A_3 = arith.constant 0 : i32
    %scan3A_4 = arith.constant 625 : i32
    %scan3A_5 = arith.addi %scan3A_3, %scan3A_4 : i32
    %scan3A_6 = arith.constant 1 : i32
    %scan3A_7 = scf.for %scan3A_18 = %scan3A_3 to %scan3A_5 step %scan3A_6 iter_args(%scan3A_19 = %scan3A) -> (i32)  : i32 {
      %broadcast_in_dim3A_20 = arith.constant 0.000000e+00 : f32
      %broadcast_in_dim3A_21 = vector.broadcast %broadcast_in_dim3A_20 : f32 to vector<16xf32>
      %mul3A_22 = arith.constant 16 : i32
      %mul3A_23 = arith.muli %scan3A_18, %mul3A_22 : i32
      %swap3A = arith.index_cast %mul3A_23 : i32 to index
      %swap3A_24 = tpu.vector_load %arg7[%swap3A] {strides = array<i32>} : memref<10000xf32, #tpu.memory_space<vmem>>, vector<16xf32>,
      tpu.vector_store %arg7[%swap3A], %broadcast_in_dim3A_21 {strides = array<i32>} : memref<10000xf32, #tpu.memory_space<vmem>>, vector<16xf32>,
      %broadcast_in_dim3A_25 = arith.constant 0.000000e+00 : f32
      %broadcast_in_dim3A_26 = vector.broadcast %broadcast_in_dim3A_25 : f32 to vector<16xf32>
      %mul3A_27 = arith.constant 16 : i32
      %mul3A_28 = arith.muli %scan3A_18, %mul3A_27 : i32
      %swap3A_29 = arith.index_cast %mul3A_28 : i32 to index
      %swap3A_30 = tpu.vector_load %arg8[%swap3A_29] {strides = array<i32>} : memref<10000xf32, #tpu.memory_space<vmem>>, vector<16xf32>,
      tpu.vector_store %arg8[%swap3A_29], %broadcast_in_dim3A_26 {strides = array<i32>} : memref<10000xf32, #tpu.memory_space<vmem>>, vector<16xf32>,
      %scan3A_31 = arith.constant 0 : i32
      scf.yield %scan3A_31 : i32
    }
    %scan3A_8 = arith.constant 625 : i32
    "tpu.region"() ({
      %run_scoped3A_18 = tpu.sem_alloc : memref<!tpu.dma_semaphore, #tpu.memory_space<semaphore_mem>>
      %dma_start3A = tpu.memref_slice %arg2[%mul3A_2] : memref<320000xi32, #tpu.memory_space<hbm>> -> memref<10000xi32, #tpu.memory_space<hbm>>
      %dma_start3A_19 = tpu.memref_slice %arg2[%mul3A_2] : memref<320000xi32, #tpu.memory_space<hbm>> -> memref<10000xi32, #tpu.memory_space<hbm>>
      tpu.enqueue_dma source(%dma_start3A_19 : memref<10000xi32, #tpu.memory_space<hbm>>) target(%arg5 : memref<10000xi32, #tpu.memory_space<vmem>>) target_semaphore(%run_scoped3A_18 : memref<!tpu.dma_semaphore, #tpu.memory_space<semaphore_mem>>)
      %dma_wait3A = tpu.memref_slice %arg2[%mul3A_2] : memref<320000xi32, #tpu.memory_space<hbm>> -> memref<10000xi32, #tpu.memory_space<hbm>>
      %dma_wait3A_20 = tpu.memref_slice %arg2[%mul3A_2] : memref<320000xi32, #tpu.memory_space<hbm>> -> memref<10000xi32, #tpu.memory_space<hbm>>
      tpu.wait_dma2 semaphore(%run_scoped3A_18 : memref<!tpu.dma_semaphore, #tpu.memory_space<semaphore_mem>>) src(%dma_wait3A_20 : memref<10000xi32, #tpu.memory_space<hbm>>) dst(%arg5 : memref<10000xi32, #tpu.memory_space<vmem>>)
      tpu.yield
    }) : () -> ()
    "tpu.region"() ({
      %run_scoped3A_18 = tpu.sem_alloc : memref<!tpu.dma_semaphore, #tpu.memory_space<semaphore_mem>>
      %dma_start3A = tpu.memref_slice %arg3[%mul3A_2] : memref<320000xi32, #tpu.memory_space<hbm>> -> memref<10000xi32, #tpu.memory_space<hbm>>
      %dma_start3A_19 = tpu.memref_slice %arg3[%mul3A_2] : memref<320000xi32, #tpu.memory_space<hbm>> -> memref<10000xi32, #tpu.memory_space<hbm>>
      tpu.enqueue_dma source(%dma_start3A_19 : memref<10000xi32, #tpu.memory_space<hbm>>) target(%arg6 : memref<10000xi32, #tpu.memory_space<vmem>>) target_semaphore(%run_scoped3A_18 : memref<!tpu.dma_semaphore, #tpu.memory_space<semaphore_mem>>)
      %dma_wait3A = tpu.memref_slice %arg3[%mul3A_2] : memref<320000xi32, #tpu.memory_space<hbm>> -> memref<10000xi32, #tpu.memory_space<hbm>>
      %dma_wait3A_20 = tpu.memref_slice %arg3[%mul3A_2] : memref<320000xi32, #tpu.memory_space<hbm>> -> memref<10000xi32, #tpu.memory_space<hbm>>
      tpu.wait_dma2 semaphore(%run_scoped3A_18 : memref<!tpu.dma_semaphore, #tpu.memory_space<semaphore_mem>>) src(%dma_wait3A_20 : memref<10000xi32, #tpu.memory_space<hbm>>) dst(%arg6 : memref<10000xi32, #tpu.memory_space<vmem>>)
      tpu.yield
    }) : () -> ()
    %broadcast_in_dim3A = arith.constant 1.000000e+00 : f32
    %broadcast_in_dim3A_9 = vector.broadcast %broadcast_in_dim3A : f32 to vector<16xf32>
    %scan3A_10 = arith.constant 0 : i32
    %scan3A_11 = arith.constant 0 : i32
    %scan3A_12 = arith.constant 625 : i32
    %scan3A_13 = arith.addi %scan3A_11, %scan3A_12 : i32
    %scan3A_14 = arith.constant 1 : i32
    %scan3A_15 = scf.for %scan3A_18 = %scan3A_11 to %scan3A_13 step %scan3A_14 iter_args(%scan3A_19 = %scan3A_10) -> (i32)  : i32 {
      %mul3A_20 = arith.constant 16 : i32
      %mul3A_21 = arith.muli %scan3A_18, %mul3A_20 : i32
      %get3A = arith.index_cast %mul3A_21 : i32 to index
      %get3A_22 = tpu.vector_load %arg5[%get3A] {strides = array<i32>} : memref<10000xi32, #tpu.memory_space<vmem>>, vector<16xi32>,
      %mul3A_23 = arith.constant 16 : i32
      %mul3A_24 = arith.muli %scan3A_18, %mul3A_23 : i32
      %get3A_25 = arith.index_cast %mul3A_24 : i32 to index
      %get3A_26 = tpu.vector_load %arg6[%get3A_25] {strides = array<i32>} : memref<10000xi32, #tpu.memory_space<vmem>>, vector<16xi32>,
      tpu.vector_store_idx %arg7[%get3A_22], %broadcast_in_dim3A_9 {add = true} : memref<10000xf32, #tpu.memory_space<vmem>>[vector<16xi32>], vector<16xf32>,
      tpu.vector_store_idx %arg8[%get3A_26], %broadcast_in_dim3A_9 {add = true} : memref<10000xf32, #tpu.memory_space<vmem>>[vector<16xi32>], vector<16xf32>,
      %scan3A_27 = arith.constant 0 : i32
      scf.yield %scan3A_27 : i32
    }
    %scan3A_16 = arith.constant 625 : i32
    %run_scoped3A = arith.constant 0 : i32
    "tpu.region"() ({
      %run_scoped3A_18 = tpu.sem_alloc : memref<!tpu.dma_semaphore, #tpu.memory_space<semaphore_mem>>
      %dma_start3A = arith.constant 0 : i32
      %dma_start3A_19 = tpu.memref_slice %arg4[%add3A, %run_scoped3A, %dma_start3A] : memref<32x2x10000xf32, #tpu.memory_space<hbm>> -> memref<1x1x10000xf32, #tpu.memory_space<hbm>>
      %dma_start3A_20 = tpu.memref_squeeze %dma_start3A_19 : memref<1x1x10000xf32, #tpu.memory_space<hbm>> -> memref<10000xf32, #tpu.memory_space<hbm>>
      %dma_start3A_21 = arith.constant 0 : i32
      %dma_start3A_22 = tpu.memref_slice %arg4[%add3A, %run_scoped3A, %dma_start3A_21] : memref<32x2x10000xf32, #tpu.memory_space<hbm>> -> memref<1x1x10000xf32, #tpu.memory_space<hbm>>
      %dma_start3A_23 = tpu.memref_squeeze %dma_start3A_22 : memref<1x1x10000xf32, #tpu.memory_space<hbm>> -> memref<10000xf32, #tpu.memory_space<hbm>>
      tpu.enqueue_dma source(%arg7 : memref<10000xf32, #tpu.memory_space<vmem>>) target(%dma_start3A_23 : memref<10000xf32, #tpu.memory_space<hbm>>) target_semaphore(%run_scoped3A_18 : memref<!tpu.dma_semaphore, #tpu.memory_space<semaphore_mem>>)
      %dma_wait3A = arith.constant 0 : i32
      %dma_wait3A_24 = tpu.memref_slice %arg4[%add3A, %run_scoped3A, %dma_wait3A] : memref<32x2x10000xf32, #tpu.memory_space<hbm>> -> memref<1x1x10000xf32, #tpu.memory_space<hbm>>
      %dma_wait3A_25 = tpu.memref_squeeze %dma_wait3A_24 : memref<1x1x10000xf32, #tpu.memory_space<hbm>> -> memref<10000xf32, #tpu.memory_space<hbm>>
      %dma_wait3A_26 = arith.constant 0 : i32
      %dma_wait3A_27 = tpu.memref_slice %arg4[%add3A, %run_scoped3A, %dma_wait3A_26] : memref<32x2x10000xf32, #tpu.memory_space<hbm>> -> memref<1x1x10000xf32, #tpu.memory_space<hbm>>
      %dma_wait3A_28 = tpu.memref_squeeze %dma_wait3A_27 : memref<1x1x10000xf32, #tpu.memory_space<hbm>> -> memref<10000xf32, #tpu.memory_space<hbm>>
      tpu.wait_dma2 semaphore(%run_scoped3A_18 : memref<!tpu.dma_semaphore, #tpu.memory_space<semaphore_mem>>) src(%arg7 : memref<10000xf32, #tpu.memory_space<vmem>>) dst(%dma_wait3A_28 : memref<10000xf32, #tpu.memory_space<hbm>>)
      tpu.yield
    }) : () -> ()
    %run_scoped3A_17 = arith.constant 1 : i32
    "tpu.region"() ({
      %run_scoped3A_18 = tpu.sem_alloc : memref<!tpu.dma_semaphore, #tpu.memory_space<semaphore_mem>>
      %dma_start3A = arith.constant 0 : i32
      %dma_start3A_19 = tpu.memref_slice %arg4[%add3A, %run_scoped3A_17, %dma_start3A] : memref<32x2x10000xf32, #tpu.memory_space<hbm>> -> memref<1x1x10000xf32, #tpu.memory_space<hbm>>
      %dma_start3A_20 = tpu.memref_squeeze %dma_start3A_19 : memref<1x1x10000xf32, #tpu.memory_space<hbm>> -> memref<10000xf32, #tpu.memory_space<hbm>>
      %dma_start3A_21 = arith.constant 0 : i32
      %dma_start3A_22 = tpu.memref_slice %arg4[%add3A, %run_scoped3A_17, %dma_start3A_21] : memref<32x2x10000xf32, #tpu.memory_space<hbm>> -> memref<1x1x10000xf32, #tpu.memory_space<hbm>>
      %dma_start3A_23 = tpu.memref_squeeze %dma_start3A_22 : memref<1x1x10000xf32, #tpu.memory_space<hbm>> -> memref<10000xf32, #tpu.memory_space<hbm>>
      tpu.enqueue_dma source(%arg8 : memref<10000xf32, #tpu.memory_space<vmem>>) target(%dma_start3A_23 : memref<10000xf32, #tpu.memory_space<hbm>>) target_semaphore(%run_scoped3A_18 : memref<!tpu.dma_semaphore, #tpu.memory_space<semaphore_mem>>)
      %dma_wait3A = arith.constant 0 : i32
      %dma_wait3A_24 = tpu.memref_slice %arg4[%add3A, %run_scoped3A_17, %dma_wait3A] : memref<32x2x10000xf32, #tpu.memory_space<hbm>> -> memref<1x1x10000xf32, #tpu.memory_space<hbm>>
      %dma_wait3A_25 = tpu.memref_squeeze %dma_wait3A_24 : memref<1x1x10000xf32, #tpu.memory_space<hbm>> -> memref<10000xf32, #tpu.memory_space<hbm>>
      %dma_wait3A_26 = arith.constant 0 : i32
      %dma_wait3A_27 = tpu.memref_slice %arg4[%add3A, %run_scoped3A_17, %dma_wait3A_26] : memref<32x2x10000xf32, #tpu.memory_space<hbm>> -> memref<1x1x10000xf32, #tpu.memory_space<hbm>>
      %dma_wait3A_28 = tpu.memref_squeeze %dma_wait3A_27 : memref<1x1x10000xf32, #tpu.memory_space<hbm>> -> memref<10000xf32, #tpu.memory_space<hbm>>
      tpu.wait_dma2 semaphore(%run_scoped3A_18 : memref<!tpu.dma_semaphore, #tpu.memory_space<semaphore_mem>>) src(%arg8 : memref<10000xf32, #tpu.memory_space<vmem>>) dst(%dma_wait3A_28 : memref<10000xf32, #tpu.memory_space<hbm>>)
      tpu.yield
    }) : () -> ()
    return
  }
}

#map = affine_map<(d0, d1) -> (0, 0)>
#map1 = affine_map<(d0, d1) -> (0)>
#map2 = affine_map<(d0, d1) -> (0, 0, 0)>
module attributes {stable_mosaic.version = 14 : i64} {
  func.func @_prop2_body(%arg0: i32, %arg1: i32, %arg2: memref<2x10000xf32, #tpu.memory_space<hbm>>, %arg3: memref<320000xi32, #tpu.memory_space<hbm>>, %arg4: memref<320000xi32, #tpu.memory_space<hbm>>, %arg5: memref<32x2x10000xf32, #tpu.memory_space<hbm>>, %arg6: memref<10000xi32, #tpu.memory_space<vmem>>, %arg7: memref<10000xi32, #tpu.memory_space<vmem>>, %arg8: memref<10000xf32, #tpu.memory_space<vmem>>, %arg9: memref<10000xf32, #tpu.memory_space<vmem>>, %arg10: memref<10000xf32, #tpu.memory_space<vmem>>, %arg11: memref<10000xf32, #tpu.memory_space<vmem>>) attributes {dimension_semantics = [#tpu.dimension_semantics<core_parallel>, #tpu.dimension_semantics<subcore_parallel>], iteration_bounds = array<i64: 2, 16>, scalar_prefetch = 0 : i64, scratch_operands = 6 : i64, tpu.core_type = #tpu.core_type<sc_vector_subcore>, window_params = [{transform_indices = #map}, {transform_indices = #map1}, {transform_indices = #map1}, {transform_indices = #map2}]} {
    %mul3A = arith.constant 2 : i32
    %mul3A_0 = arith.muli %arg1, %mul3A : i32
    %add3A = arith.addi %mul3A_0, %arg0 : i32
    %mul3A_1 = arith.constant 10000 : i32
    %mul3A_2 = arith.muli %add3A, %mul3A_1 : i32
    %run_scoped3A = arith.constant 0 : i32
    "tpu.region"() ({
      %run_scoped3A_19 = tpu.sem_alloc : memref<!tpu.dma_semaphore, #tpu.memory_space<semaphore_mem>>
      %dma_start3A = arith.constant 0 : i32
      %dma_start3A_20 = tpu.memref_slice %arg2[%run_scoped3A, %dma_start3A] : memref<2x10000xf32, #tpu.memory_space<hbm>> -> memref<1x10000xf32, #tpu.memory_space<hbm>>
      %dma_start3A_21 = tpu.memref_squeeze %dma_start3A_20 : memref<1x10000xf32, #tpu.memory_space<hbm>> -> memref<10000xf32, #tpu.memory_space<hbm>>
      %dma_start3A_22 = arith.constant 0 : i32
      %dma_start3A_23 = tpu.memref_slice %arg2[%run_scoped3A, %dma_start3A_22] : memref<2x10000xf32, #tpu.memory_space<hbm>> -> memref<1x10000xf32, #tpu.memory_space<hbm>>
      %dma_start3A_24 = tpu.memref_squeeze %dma_start3A_23 : memref<1x10000xf32, #tpu.memory_space<hbm>> -> memref<10000xf32, #tpu.memory_space<hbm>>
      tpu.enqueue_dma source(%dma_start3A_24 : memref<10000xf32, #tpu.memory_space<hbm>>) target(%arg8 : memref<10000xf32, #tpu.memory_space<vmem>>) target_semaphore(%run_scoped3A_19 : memref<!tpu.dma_semaphore, #tpu.memory_space<semaphore_mem>>)
      %dma_wait3A = arith.constant 0 : i32
      %dma_wait3A_25 = tpu.memref_slice %arg2[%run_scoped3A, %dma_wait3A] : memref<2x10000xf32, #tpu.memory_space<hbm>> -> memref<1x10000xf32, #tpu.memory_space<hbm>>
      %dma_wait3A_26 = tpu.memref_squeeze %dma_wait3A_25 : memref<1x10000xf32, #tpu.memory_space<hbm>> -> memref<10000xf32, #tpu.memory_space<hbm>>
      %dma_wait3A_27 = arith.constant 0 : i32
      %dma_wait3A_28 = tpu.memref_slice %arg2[%run_scoped3A, %dma_wait3A_27] : memref<2x10000xf32, #tpu.memory_space<hbm>> -> memref<1x10000xf32, #tpu.memory_space<hbm>>
      %dma_wait3A_29 = tpu.memref_squeeze %dma_wait3A_28 : memref<1x10000xf32, #tpu.memory_space<hbm>> -> memref<10000xf32, #tpu.memory_space<hbm>>
      tpu.wait_dma2 semaphore(%run_scoped3A_19 : memref<!tpu.dma_semaphore, #tpu.memory_space<semaphore_mem>>) src(%dma_wait3A_29 : memref<10000xf32, #tpu.memory_space<hbm>>) dst(%arg8 : memref<10000xf32, #tpu.memory_space<vmem>>)
      tpu.yield
    }) : () -> ()
    %run_scoped3A_3 = arith.constant 1 : i32
    "tpu.region"() ({
      %run_scoped3A_19 = tpu.sem_alloc : memref<!tpu.dma_semaphore, #tpu.memory_space<semaphore_mem>>
      %dma_start3A = arith.constant 0 : i32
      %dma_start3A_20 = tpu.memref_slice %arg2[%run_scoped3A_3, %dma_start3A] : memref<2x10000xf32, #tpu.memory_space<hbm>> -> memref<1x10000xf32, #tpu.memory_space<hbm>>
      %dma_start3A_21 = tpu.memref_squeeze %dma_start3A_20 : memref<1x10000xf32, #tpu.memory_space<hbm>> -> memref<10000xf32, #tpu.memory_space<hbm>>
      %dma_start3A_22 = arith.constant 0 : i32
      %dma_start3A_23 = tpu.memref_slice %arg2[%run_scoped3A_3, %dma_start3A_22] : memref<2x10000xf32, #tpu.memory_space<hbm>> -> memref<1x10000xf32, #tpu.memory_space<hbm>>
      %dma_start3A_24 = tpu.memref_squeeze %dma_start3A_23 : memref<1x10000xf32, #tpu.memory_space<hbm>> -> memref<10000xf32, #tpu.memory_space<hbm>>
      tpu.enqueue_dma source(%dma_start3A_24 : memref<10000xf32, #tpu.memory_space<hbm>>) target(%arg9 : memref<10000xf32, #tpu.memory_space<vmem>>) target_semaphore(%run_scoped3A_19 : memref<!tpu.dma_semaphore, #tpu.memory_space<semaphore_mem>>)
      %dma_wait3A = arith.constant 0 : i32
      %dma_wait3A_25 = tpu.memref_slice %arg2[%run_scoped3A_3, %dma_wait3A] : memref<2x10000xf32, #tpu.memory_space<hbm>> -> memref<1x10000xf32, #tpu.memory_space<hbm>>
      %dma_wait3A_26 = tpu.memref_squeeze %dma_wait3A_25 : memref<1x10000xf32, #tpu.memory_space<hbm>> -> memref<10000xf32, #tpu.memory_space<hbm>>
      %dma_wait3A_27 = arith.constant 0 : i32
      %dma_wait3A_28 = tpu.memref_slice %arg2[%run_scoped3A_3, %dma_wait3A_27] : memref<2x10000xf32, #tpu.memory_space<hbm>> -> memref<1x10000xf32, #tpu.memory_space<hbm>>
      %dma_wait3A_29 = tpu.memref_squeeze %dma_wait3A_28 : memref<1x10000xf32, #tpu.memory_space<hbm>> -> memref<10000xf32, #tpu.memory_space<hbm>>
      tpu.wait_dma2 semaphore(%run_scoped3A_19 : memref<!tpu.dma_semaphore, #tpu.memory_space<semaphore_mem>>) src(%dma_wait3A_29 : memref<10000xf32, #tpu.memory_space<hbm>>) dst(%arg9 : memref<10000xf32, #tpu.memory_space<vmem>>)
      tpu.yield
    }) : () -> ()
    %scan3A = arith.constant 0 : i32
    %scan3A_4 = arith.constant 0 : i32
    %scan3A_5 = arith.constant 625 : i32
    %scan3A_6 = arith.addi %scan3A_4, %scan3A_5 : i32
    %scan3A_7 = arith.constant 1 : i32
    %scan3A_8 = scf.for %scan3A_19 = %scan3A_4 to %scan3A_6 step %scan3A_7 iter_args(%scan3A_20 = %scan3A) -> (i32)  : i32 {
      %broadcast_in_dim3A = arith.constant 0.000000e+00 : f32
      %broadcast_in_dim3A_21 = vector.broadcast %broadcast_in_dim3A : f32 to vector<16xf32>
      %mul3A_22 = arith.constant 16 : i32
      %mul3A_23 = arith.muli %scan3A_19, %mul3A_22 : i32
      %swap3A = arith.index_cast %mul3A_23 : i32 to index
      %swap3A_24 = tpu.vector_load %arg10[%swap3A] {strides = array<i32>} : memref<10000xf32, #tpu.memory_space<vmem>>, vector<16xf32>,
      tpu.vector_store %arg10[%swap3A], %broadcast_in_dim3A_21 {strides = array<i32>} : memref<10000xf32, #tpu.memory_space<vmem>>, vector<16xf32>,
      %broadcast_in_dim3A_25 = arith.constant 0.000000e+00 : f32
      %broadcast_in_dim3A_26 = vector.broadcast %broadcast_in_dim3A_25 : f32 to vector<16xf32>
      %mul3A_27 = arith.constant 16 : i32
      %mul3A_28 = arith.muli %scan3A_19, %mul3A_27 : i32
      %swap3A_29 = arith.index_cast %mul3A_28 : i32 to index
      %swap3A_30 = tpu.vector_load %arg11[%swap3A_29] {strides = array<i32>} : memref<10000xf32, #tpu.memory_space<vmem>>, vector<16xf32>,
      tpu.vector_store %arg11[%swap3A_29], %broadcast_in_dim3A_26 {strides = array<i32>} : memref<10000xf32, #tpu.memory_space<vmem>>, vector<16xf32>,
      %scan3A_31 = arith.constant 0 : i32
      scf.yield %scan3A_31 : i32
    }
    %scan3A_9 = arith.constant 625 : i32
    "tpu.region"() ({
      %run_scoped3A_19 = tpu.sem_alloc : memref<!tpu.dma_semaphore, #tpu.memory_space<semaphore_mem>>
      %dma_start3A = tpu.memref_slice %arg3[%mul3A_2] : memref<320000xi32, #tpu.memory_space<hbm>> -> memref<10000xi32, #tpu.memory_space<hbm>>
      %dma_start3A_20 = tpu.memref_slice %arg3[%mul3A_2] : memref<320000xi32, #tpu.memory_space<hbm>> -> memref<10000xi32, #tpu.memory_space<hbm>>
      tpu.enqueue_dma source(%dma_start3A_20 : memref<10000xi32, #tpu.memory_space<hbm>>) target(%arg6 : memref<10000xi32, #tpu.memory_space<vmem>>) target_semaphore(%run_scoped3A_19 : memref<!tpu.dma_semaphore, #tpu.memory_space<semaphore_mem>>)
      %dma_wait3A = tpu.memref_slice %arg3[%mul3A_2] : memref<320000xi32, #tpu.memory_space<hbm>> -> memref<10000xi32, #tpu.memory_space<hbm>>
      %dma_wait3A_21 = tpu.memref_slice %arg3[%mul3A_2] : memref<320000xi32, #tpu.memory_space<hbm>> -> memref<10000xi32, #tpu.memory_space<hbm>>
      tpu.wait_dma2 semaphore(%run_scoped3A_19 : memref<!tpu.dma_semaphore, #tpu.memory_space<semaphore_mem>>) src(%dma_wait3A_21 : memref<10000xi32, #tpu.memory_space<hbm>>) dst(%arg6 : memref<10000xi32, #tpu.memory_space<vmem>>)
      tpu.yield
    }) : () -> ()
    "tpu.region"() ({
      %run_scoped3A_19 = tpu.sem_alloc : memref<!tpu.dma_semaphore, #tpu.memory_space<semaphore_mem>>
      %dma_start3A = tpu.memref_slice %arg4[%mul3A_2] : memref<320000xi32, #tpu.memory_space<hbm>> -> memref<10000xi32, #tpu.memory_space<hbm>>
      %dma_start3A_20 = tpu.memref_slice %arg4[%mul3A_2] : memref<320000xi32, #tpu.memory_space<hbm>> -> memref<10000xi32, #tpu.memory_space<hbm>>
      tpu.enqueue_dma source(%dma_start3A_20 : memref<10000xi32, #tpu.memory_space<hbm>>) target(%arg7 : memref<10000xi32, #tpu.memory_space<vmem>>) target_semaphore(%run_scoped3A_19 : memref<!tpu.dma_semaphore, #tpu.memory_space<semaphore_mem>>)
      %dma_wait3A = tpu.memref_slice %arg4[%mul3A_2] : memref<320000xi32, #tpu.memory_space<hbm>> -> memref<10000xi32, #tpu.memory_space<hbm>>
      %dma_wait3A_21 = tpu.memref_slice %arg4[%mul3A_2] : memref<320000xi32, #tpu.memory_space<hbm>> -> memref<10000xi32, #tpu.memory_space<hbm>>
      tpu.wait_dma2 semaphore(%run_scoped3A_19 : memref<!tpu.dma_semaphore, #tpu.memory_space<semaphore_mem>>) src(%dma_wait3A_21 : memref<10000xi32, #tpu.memory_space<hbm>>) dst(%arg7 : memref<10000xi32, #tpu.memory_space<vmem>>)
      tpu.yield
    }) : () -> ()
    %scan3A_10 = arith.constant 0 : i32
    %scan3A_11 = arith.constant 0 : i32
    %scan3A_12 = arith.constant 625 : i32
    %scan3A_13 = arith.addi %scan3A_11, %scan3A_12 : i32
    %scan3A_14 = arith.constant 1 : i32
    %scan3A_15 = scf.for %scan3A_19 = %scan3A_11 to %scan3A_13 step %scan3A_14 iter_args(%scan3A_20 = %scan3A_10) -> (i32)  : i32 {
      %mul3A_21 = arith.constant 16 : i32
      %mul3A_22 = arith.muli %scan3A_19, %mul3A_21 : i32
      %get3A = arith.index_cast %mul3A_22 : i32 to index
      %get3A_23 = tpu.vector_load %arg6[%get3A] {strides = array<i32>} : memref<10000xi32, #tpu.memory_space<vmem>>, vector<16xi32>,
      %mul3A_24 = arith.constant 16 : i32
      %mul3A_25 = arith.muli %scan3A_19, %mul3A_24 : i32
      %get3A_26 = arith.index_cast %mul3A_25 : i32 to index
      %get3A_27 = tpu.vector_load %arg7[%get3A_26] {strides = array<i32>} : memref<10000xi32, #tpu.memory_space<vmem>>, vector<16xi32>,
      %gather3A = tpu.vector_load_idx %arg8[%get3A_23] : memref<10000xf32, #tpu.memory_space<vmem>>[vector<16xi32>], vector<16xf32>,
      %gather3A_28 = tpu.vector_load_idx %arg9[%get3A_23] : memref<10000xf32, #tpu.memory_space<vmem>>[vector<16xi32>], vector<16xf32>,
      tpu.vector_store_idx %arg10[%get3A_27], %gather3A {add = true} : memref<10000xf32, #tpu.memory_space<vmem>>[vector<16xi32>], vector<16xf32>,
      tpu.vector_store_idx %arg11[%get3A_27], %gather3A_28 {add = true} : memref<10000xf32, #tpu.memory_space<vmem>>[vector<16xi32>], vector<16xf32>,
      %scan3A_29 = arith.constant 0 : i32
      scf.yield %scan3A_29 : i32
    }
    %scan3A_16 = arith.constant 625 : i32
    %run_scoped3A_17 = arith.constant 0 : i32
    "tpu.region"() ({
      %run_scoped3A_19 = tpu.sem_alloc : memref<!tpu.dma_semaphore, #tpu.memory_space<semaphore_mem>>
      %dma_start3A = arith.constant 0 : i32
      %dma_start3A_20 = tpu.memref_slice %arg5[%add3A, %run_scoped3A_17, %dma_start3A] : memref<32x2x10000xf32, #tpu.memory_space<hbm>> -> memref<1x1x10000xf32, #tpu.memory_space<hbm>>
      %dma_start3A_21 = tpu.memref_squeeze %dma_start3A_20 : memref<1x1x10000xf32, #tpu.memory_space<hbm>> -> memref<10000xf32, #tpu.memory_space<hbm>>
      %dma_start3A_22 = arith.constant 0 : i32
      %dma_start3A_23 = tpu.memref_slice %arg5[%add3A, %run_scoped3A_17, %dma_start3A_22] : memref<32x2x10000xf32, #tpu.memory_space<hbm>> -> memref<1x1x10000xf32, #tpu.memory_space<hbm>>
      %dma_start3A_24 = tpu.memref_squeeze %dma_start3A_23 : memref<1x1x10000xf32, #tpu.memory_space<hbm>> -> memref<10000xf32, #tpu.memory_space<hbm>>
      tpu.enqueue_dma source(%arg10 : memref<10000xf32, #tpu.memory_space<vmem>>) target(%dma_start3A_24 : memref<10000xf32, #tpu.memory_space<hbm>>) target_semaphore(%run_scoped3A_19 : memref<!tpu.dma_semaphore, #tpu.memory_space<semaphore_mem>>)
      %dma_wait3A = arith.constant 0 : i32
      %dma_wait3A_25 = tpu.memref_slice %arg5[%add3A, %run_scoped3A_17, %dma_wait3A] : memref<32x2x10000xf32, #tpu.memory_space<hbm>> -> memref<1x1x10000xf32, #tpu.memory_space<hbm>>
      %dma_wait3A_26 = tpu.memref_squeeze %dma_wait3A_25 : memref<1x1x10000xf32, #tpu.memory_space<hbm>> -> memref<10000xf32, #tpu.memory_space<hbm>>
      %dma_wait3A_27 = arith.constant 0 : i32
      %dma_wait3A_28 = tpu.memref_slice %arg5[%add3A, %run_scoped3A_17, %dma_wait3A_27] : memref<32x2x10000xf32, #tpu.memory_space<hbm>> -> memref<1x1x10000xf32, #tpu.memory_space<hbm>>
      %dma_wait3A_29 = tpu.memref_squeeze %dma_wait3A_28 : memref<1x1x10000xf32, #tpu.memory_space<hbm>> -> memref<10000xf32, #tpu.memory_space<hbm>>
      tpu.wait_dma2 semaphore(%run_scoped3A_19 : memref<!tpu.dma_semaphore, #tpu.memory_space<semaphore_mem>>) src(%arg10 : memref<10000xf32, #tpu.memory_space<vmem>>) dst(%dma_wait3A_29 : memref<10000xf32, #tpu.memory_space<hbm>>)
      tpu.yield
    }) : () -> ()
    %run_scoped3A_18 = arith.constant 1 : i32
    "tpu.region"() ({
      %run_scoped3A_19 = tpu.sem_alloc : memref<!tpu.dma_semaphore, #tpu.memory_space<semaphore_mem>>
      %dma_start3A = arith.constant 0 : i32
      %dma_start3A_20 = tpu.memref_slice %arg5[%add3A, %run_scoped3A_18, %dma_start3A] : memref<32x2x10000xf32, #tpu.memory_space<hbm>> -> memref<1x1x10000xf32, #tpu.memory_space<hbm>>
      %dma_start3A_21 = tpu.memref_squeeze %dma_start3A_20 : memref<1x1x10000xf32, #tpu.memory_space<hbm>> -> memref<10000xf32, #tpu.memory_space<hbm>>
      %dma_start3A_22 = arith.constant 0 : i32
      %dma_start3A_23 = tpu.memref_slice %arg5[%add3A, %run_scoped3A_18, %dma_start3A_22] : memref<32x2x10000xf32, #tpu.memory_space<hbm>> -> memref<1x1x10000xf32, #tpu.memory_space<hbm>>
      %dma_start3A_24 = tpu.memref_squeeze %dma_start3A_23 : memref<1x1x10000xf32, #tpu.memory_space<hbm>> -> memref<10000xf32, #tpu.memory_space<hbm>>
      tpu.enqueue_dma source(%arg11 : memref<10000xf32, #tpu.memory_space<vmem>>) target(%dma_start3A_24 : memref<10000xf32, #tpu.memory_space<hbm>>) target_semaphore(%run_scoped3A_19 : memref<!tpu.dma_semaphore, #tpu.memory_space<semaphore_mem>>)
      %dma_wait3A = arith.constant 0 : i32
      %dma_wait3A_25 = tpu.memref_slice %arg5[%add3A, %run_scoped3A_18, %dma_wait3A] : memref<32x2x10000xf32, #tpu.memory_space<hbm>> -> memref<1x1x10000xf32, #tpu.memory_space<hbm>>
      %dma_wait3A_26 = tpu.memref_squeeze %dma_wait3A_25 : memref<1x1x10000xf32, #tpu.memory_space<hbm>> -> memref<10000xf32, #tpu.memory_space<hbm>>
      %dma_wait3A_27 = arith.constant 0 : i32
      %dma_wait3A_28 = tpu.memref_slice %arg5[%add3A, %run_scoped3A_18, %dma_wait3A_27] : memref<32x2x10000xf32, #tpu.memory_space<hbm>> -> memref<1x1x10000xf32, #tpu.memory_space<hbm>>
      %dma_wait3A_29 = tpu.memref_squeeze %dma_wait3A_28 : memref<1x1x10000xf32, #tpu.memory_space<hbm>> -> memref<10000xf32, #tpu.memory_space<hbm>>
      tpu.wait_dma2 semaphore(%run_scoped3A_19 : memref<!tpu.dma_semaphore, #tpu.memory_space<semaphore_mem>>) src(%arg11 : memref<10000xf32, #tpu.memory_space<vmem>>) dst(%dma_wait3A_29 : memref<10000xf32, #tpu.memory_space<hbm>>)
      tpu.yield
    }) : () -> ()
    return
  }
}

module attributes {stable_mosaic.version = 14 : i64} {
  func.func @_tcA_body(%arg0: memref<10000x128xf32, #tpu.memory_space<vmem>>, %arg1: memref<128x64xf32, #tpu.memory_space<vmem>>, %arg2: memref<32x2x10000xf32, #tpu.memory_space<vmem>>, %arg3: memref<64x10000xf32, #tpu.memory_space<vmem>>, %arg4: memref<2x10000xf32, #tpu.memory_space<vmem>>) attributes {dimension_semantics = [], scalar_prefetch = 0 : i64, scratch_operands = 0 : i64, tpu.core_type = #tpu.core_type<tc>} {
    %get3A = arith.constant 0 : index
    %get3A_0 = arith.constant 0 : index
    %get3A_1 = arith.constant 0 : index
    %get3A_2 = vector.load %arg2[%get3A, %get3A_0, %get3A_1] : memref<32x2x10000xf32, #tpu.memory_space<vmem>>, vector<32x2x10000xf32>
    %reduce_sum3A = arith.constant dense<0.000000e+00> : vector<2x10000xf32>
    %reduce_sum3A_3 = vector.multi_reduction <add>, %get3A_2, %reduce_sum3A [0] : vector<32x2x10000xf32> to vector<2x10000xf32>
    %gt3A = arith.constant 0.000000e+00 : f32
    %gt3A_4 = vector.broadcast %gt3A : f32 to vector<2x10000xf32>
    %gt3A_5 = arith.cmpf ogt, %reduce_sum3A_3, %gt3A_4 : vector<2x10000xf32>
    %rsqrt3A = math.rsqrt %reduce_sum3A_3 : vector<2x10000xf32>
    %jit3A = arith.constant 0.000000e+00 : f32
    %broadcast_in_dim3A = vector.broadcast %jit3A : f32 to vector<2x10000xf32>
    %select_n3A = arith.select %gt3A_5, %rsqrt3A, %broadcast_in_dim3A : vector<2x10000xi1>, vector<2x10000xf32>
    %swap3A = arith.constant 0 : index
    %swap3A_6 = arith.constant 0 : index
    %swap3A_7 = vector.load %arg4[%swap3A, %swap3A_6] : memref<2x10000xf32, #tpu.memory_space<vmem>>, vector<2x10000xf32>
    tpu.vector_store %arg4[%swap3A, %swap3A_6], %select_n3A {strides = array<i32>} : memref<2x10000xf32, #tpu.memory_space<vmem>>, vector<2x10000xf32>,
    %get3A_8 = arith.constant 0 : index
    %get3A_9 = arith.constant 0 : index
    %get3A_10 = vector.load %arg1[%get3A_8, %get3A_9] : memref<128x64xf32, #tpu.memory_space<vmem>>, vector<128x64xf32>
    %get3A_11 = arith.constant 0 : index
    %get3A_12 = arith.constant 0 : index
    %get3A_13 = vector.load %arg0[%get3A_11, %get3A_12] : memref<10000x128xf32, #tpu.memory_space<vmem>>, vector<10000x128xf32>
    %dot_general3A = arith.constant dense<0.000000e+00> : vector<64x10000xf32>
    %dot_general3A_14 = tpu.matmul %get3A_10, %get3A_13, %dot_general3A {dimension_numbers = #tpu.dot_dimension_numbers<[0], [1], [1], [0], [0, 1, 1, 0], [], []>, transpose_lhs_hint = false} : vector<128x64xf32>, vector<10000x128xf32>, vector<64x10000xf32> -> vector<64x10000xf32>
    %slice3A = vector.extract_strided_slice %select_n3A {offsets = [0, 0], sizes = [1, 10000], strides = [1, 1]} : vector<2x10000xf32> to vector<1x10000xf32>
    %mul3A = vector.broadcast %slice3A : vector<1x10000xf32> to vector<64x10000xf32>
    %mul3A_15 = arith.mulf %dot_general3A_14, %mul3A : vector<64x10000xf32>
    %swap3A_16 = arith.constant 0 : index
    %swap3A_17 = arith.constant 0 : index
    %swap3A_18 = vector.load %arg3[%swap3A_16, %swap3A_17] : memref<64x10000xf32, #tpu.memory_space<vmem>>, vector<64x10000xf32>
    tpu.vector_store %arg3[%swap3A_16, %swap3A_17], %mul3A_15 {strides = array<i32>} : memref<64x10000xf32, #tpu.memory_space<vmem>>, vector<64x10000xf32>,
    return
  }
}

module attributes {stable_mosaic.version = 14 : i64} {
  func.func @_tcB_body(%arg0: memref<64x10000xf32, #tpu.memory_space<vmem>>, %arg1: memref<2x10000xf32, #tpu.memory_space<vmem>>, %arg2: memref<64x1xf32, #tpu.memory_space<vmem>>, %arg3: memref<64x2xf32, #tpu.memory_space<vmem>>, %arg4: memref<2x10000xf32, #tpu.memory_space<vmem>>) attributes {dimension_semantics = [], scalar_prefetch = 0 : i64, scratch_operands = 0 : i64, tpu.core_type = #tpu.core_type<tc>} {
    %get3A = arith.constant 0 : index
    %get3A_0 = arith.constant 0 : index
    %get3A_1 = vector.load %arg1[%get3A, %get3A_0] : memref<2x10000xf32, #tpu.memory_space<vmem>>, vector<2x10000xf32>
    %get3A_2 = arith.constant 0 : index
    %get3A_3 = arith.constant 0 : index
    %get3A_4 = vector.load %arg0[%get3A_2, %get3A_3] : memref<64x10000xf32, #tpu.memory_space<vmem>>, vector<64x10000xf32>
    %slice3A = vector.extract_strided_slice %get3A_1 {offsets = [1, 0], sizes = [1, 10000], strides = [1, 1]} : vector<2x10000xf32> to vector<1x10000xf32>
    %mul3A = vector.broadcast %slice3A : vector<1x10000xf32> to vector<64x10000xf32>
    %mul3A_5 = arith.mulf %get3A_4, %mul3A : vector<64x10000xf32>
    %get3A_6 = arith.constant 0 : index
    %get3A_7 = arith.constant 0 : index
    %get3A_8 = vector.load %arg2[%get3A_6, %get3A_7] : memref<64x1xf32, #tpu.memory_space<vmem>>, vector<64x1xf32>
    %add3A = vector.broadcast %get3A_8 : vector<64x1xf32> to vector<64x10000xf32>
    %add3A_9 = arith.addf %mul3A_5, %add3A : vector<64x10000xf32>
    %max3A = arith.constant 0.000000e+00 : f32
    %max3A_10 = vector.broadcast %max3A : f32 to vector<64x10000xf32>
    %max3A_11 = arith.maximumf %add3A_9, %max3A_10 : vector<64x10000xf32>
    %get3A_12 = arith.constant 0 : index
    %get3A_13 = arith.constant 0 : index
    %get3A_14 = vector.load %arg3[%get3A_12, %get3A_13] : memref<64x2xf32, #tpu.memory_space<vmem>>, vector<64x2xf32>
    %dot_general3A = arith.constant dense<0.000000e+00> : vector<2x10000xf32>
    %dot_general3A_15 = tpu.matmul %get3A_14, %max3A_11, %dot_general3A {dimension_numbers = #tpu.dot_dimension_numbers<[0], [0], [1], [1], [0, 1, 1, 1], [], []>, transpose_lhs_hint = false} : vector<64x2xf32>, vector<64x10000xf32>, vector<2x10000xf32> -> vector<2x10000xf32>
    %slice3A_16 = vector.extract_strided_slice %get3A_1 {offsets = [0, 0], sizes = [1, 10000], strides = [1, 1]} : vector<2x10000xf32> to vector<1x10000xf32>
    %mul3A_17 = vector.broadcast %slice3A_16 : vector<1x10000xf32> to vector<2x10000xf32>
    %mul3A_18 = arith.mulf %dot_general3A_15, %mul3A_17 : vector<2x10000xf32>
    %swap3A = arith.constant 0 : index
    %swap3A_19 = arith.constant 0 : index
    %swap3A_20 = vector.load %arg4[%swap3A, %swap3A_19] : memref<2x10000xf32, #tpu.memory_space<vmem>>, vector<2x10000xf32>
    tpu.vector_store %arg4[%swap3A, %swap3A_19], %mul3A_18 {strides = array<i32>} : memref<2x10000xf32, #tpu.memory_space<vmem>>, vector<2x10000xf32>,
    return
  }
}

module attributes {stable_mosaic.version = 14 : i64} {
  func.func @_tcC_body(%arg0: memref<32x2x10000xf32, #tpu.memory_space<vmem>>, %arg1: memref<2x10000xf32, #tpu.memory_space<vmem>>, %arg2: memref<2x1xf32, #tpu.memory_space<vmem>>, %arg3: memref<4x1xf32, #tpu.memory_space<vmem>>, %arg4: memref<1x1xf32, #tpu.memory_space<vmem>>, %arg5: memref<1x1xf32, #tpu.memory_space<vmem>>) attributes {dimension_semantics = [], scalar_prefetch = 0 : i64, scratch_operands = 0 : i64, tpu.core_type = #tpu.core_type<tc>} {
    %get3A = arith.constant 0 : index
    %get3A_0 = arith.constant 0 : index
    %get3A_1 = arith.constant 0 : index
    %get3A_2 = vector.load %arg0[%get3A, %get3A_0, %get3A_1] : memref<32x2x10000xf32, #tpu.memory_space<vmem>>, vector<32x2x10000xf32>
    %reduce_sum3A = arith.constant dense<0.000000e+00> : vector<2x10000xf32>
    %reduce_sum3A_3 = vector.multi_reduction <add>, %get3A_2, %reduce_sum3A [0] : vector<32x2x10000xf32> to vector<2x10000xf32>
    %get3A_4 = arith.constant 0 : index
    %get3A_5 = arith.constant 0 : index
    %get3A_6 = vector.load %arg1[%get3A_4, %get3A_5] : memref<2x10000xf32, #tpu.memory_space<vmem>>, vector<2x10000xf32>
    %slice3A = vector.extract_strided_slice %get3A_6 {offsets = [1, 0], sizes = [1, 10000], strides = [1, 1]} : vector<2x10000xf32> to vector<1x10000xf32>
    %mul3A = vector.broadcast %slice3A : vector<1x10000xf32> to vector<2x10000xf32>
    %mul3A_7 = arith.mulf %reduce_sum3A_3, %mul3A : vector<2x10000xf32>
    %get3A_8 = arith.constant 0 : index
    %get3A_9 = arith.constant 0 : index
    %get3A_10 = vector.load %arg2[%get3A_8, %get3A_9] : memref<2x1xf32, #tpu.memory_space<vmem>>, vector<2x1xf32>
    %add3A = vector.broadcast %get3A_10 : vector<2x1xf32> to vector<2x10000xf32>
    %add3A_11 = arith.addf %mul3A_7, %add3A : vector<2x10000xf32>
    %max3A = arith.constant 0.000000e+00 : f32
    %max3A_12 = vector.broadcast %max3A : f32 to vector<2x10000xf32>
    %max3A_13 = arith.maximumf %add3A_11, %max3A_12 : vector<2x10000xf32>
    %reduce_sum3A_14 = arith.constant dense<0.000000e+00> : vector<2xf32>
    %reduce_sum3A_15 = vector.multi_reduction <add>, %max3A_13, %reduce_sum3A_14 [1] : vector<2x10000xf32> to vector<2xf32>
    %broadcast_in_dim3A = vector.shape_cast %reduce_sum3A_15 : vector<2xf32> to vector<2x1xf32>
    %mul3A_16 = arith.constant 9.99999974E-5 : f32
    %mul3A_17 = vector.broadcast %mul3A_16 : f32 to vector<2x1xf32>
    %mul3A_18 = arith.mulf %broadcast_in_dim3A, %mul3A_17 : vector<2x1xf32>
    %reduce_max3A = arith.constant dense<0xFF800000> : vector<2xf32>
    %reduce_max3A_19 = vector.multi_reduction <maximumf>, %max3A_13, %reduce_max3A [1] : vector<2x10000xf32> to vector<2xf32>
    %broadcast_in_dim3A_20 = vector.shape_cast %reduce_max3A_19 : vector<2xf32> to vector<2x1xf32>
    %concatenate3A = tpu.concatenate %mul3A_18, %broadcast_in_dim3A_20 in 0 : vector<2x1xf32>, vector<2x1xf32> -> vector<4x1xf32>
    %get3A_21 = arith.constant 0 : index
    %get3A_22 = arith.constant 0 : index
    %get3A_23 = vector.load %arg3[%get3A_21, %get3A_22] : memref<4x1xf32, #tpu.memory_space<vmem>>, vector<4x1xf32>
    %mul3A_24 = arith.mulf %concatenate3A, %get3A_23 : vector<4x1xf32>
    %reduce_sum3A_25 = vector.shape_cast %mul3A_24 : vector<4x1xf32> to vector<1x4x1xf32>
    %reduce_sum3A_26 = arith.constant dense<0.000000e+00> : vector<1xf32>
    %reduce_sum3A_27 = vector.multi_reduction <add>, %reduce_sum3A_25, %reduce_sum3A_26 [1, 2] : vector<1x4x1xf32> to vector<1xf32>
    %reduce_sum3A_28 = vector.shape_cast %reduce_sum3A_27 : vector<1xf32> to vector<1x1x1xf32>
    %reduce_sum3A_29 = vector.extract %reduce_sum3A_28[0, 0, 0] : f32 from vector<1x1x1xf32>
    %get3A_30 = arith.constant 0 : index
    %get3A_31 = arith.constant 0 : index
    %get3A_32 = vector.load %arg4[%get3A_30, %get3A_31] : memref<1x1xf32, #tpu.memory_space<vmem>>, vector<1x1xf32>
    %get3A_33 = vector.extract %get3A_32[0, 0] : f32 from vector<1x1xf32>
    %add3A_34 = arith.addf %reduce_sum3A_29, %get3A_33 : f32
    %neg3A = arith.constant 0.000000e+00 : f32
    %neg3A_35 = arith.subf %neg3A, %add3A_34 : f32
    %exp3A = math.exp %neg3A_35 : f32
    %add3A_36 = arith.constant 1.000000e+00 : f32
    %add3A_37 = arith.addf %add3A_36, %exp3A : f32
    %div3A = arith.constant 1.000000e+00 : f32
    %div3A_38 = arith.divf %div3A, %add3A_37 : f32
    %reshape3A = vector.broadcast %div3A_38 : f32 to vector<1x1xf32>
    %swap3A = arith.constant 0 : index
    %swap3A_39 = arith.constant 0 : index
    %swap3A_40 = vector.load %arg5[%swap3A, %swap3A_39] : memref<1x1xf32, #tpu.memory_space<vmem>>, vector<1x1xf32>
    tpu.vector_store %arg5[%swap3A, %swap3A_39], %reshape3A {strides = array<i32>} : memref<1x1xf32, #tpu.memory_space<vmem>>, vector<1x1xf32>,
    return
  }
}

</mosaic_0001>

<sc_bundles>
// kernel: kernel.11.cloned.1.call-start
scs
__scs_entry_jumppad:
0x0: {  	(pc) =	sbr.rel $0x88, $3  }
0x1: {  	(tag) =	ssettag $0x0;
	lr =	simm.s32 $0x1  }
0x2: {  	[smem:$0x3F99] =	sst lr;
	_ =	strace $0xD0000000  }
0x3: {  	_ = 	snop  }
0x4: {  	_ = 	snop  }
0x5: {  	_ = 	snop  }
0x6: {  	_ = 	snop  }
0x7: {  	_ = 	snop  }
__scs_overlays_trampoline_lowered:
0x8: {  	[smem:$0x3FA8] =	sst s0  }
0x9: {  	[smem:$0x3FA9] =	sst s1  }
0xa: {  	[smem:$0x3FAA] =	sst s2  }
0xb: {  	[smem:$0x3FAB] =	sst s3  }
0xc: {  	[smem:$0x3FAC] =	sst s4  }
0xd: {  	[smem:$0x3FAD] =	sst s5  }
0xe: {  	[smem:$0x3FAE] =	sst s6  }
0xf: {  	[smem:$0x3FAF] =	sst s7  }
0x10: {  	[smem:$0x3FB0] =	sst s8  }
0x11: {  	[smem:$0x3FB1] =	sst s9;
	s0 =	simm.s32 @!p0 $0x0  }
0x12: {  	s1 =	sld [smem:$0x3F97];
	s0 =	simm.s32 @p0 $0x1  }
0x13: {  	[smem:$0x3FB2] =	sst s0;
	s0 =	simm.s32 @!p1 $0x0  }
0x14: {  	s2 =	sld [smem:$0x3F96];
	s0 =	simm.s32 @p1 $0x1  }
0x15: {  	[smem:$0x3FB3] =	sst s0;
	s0 =	simm.s32 @!p2 $0x0  }
0x16: {  	s3 =	sld [smem:$0x3FDB];
	s0 =	simm.s32 @p2 $0x1  }
0x17: {  	s4 =	simm.s32 $0x1BF5;
	[smem:$0x3FB5] =	sst s0  }
0x18: {  	s0 =	sld [smem:$0x3F98];
	_ =	swait.ge [sflag:s4], $0x0  }
0x19: {  	s7 =	sld [smem:$0x3F99]  }
0x1a: {  	s8 =	sadd.s32 $0xFFFFE003, lr  }
0x1b: {  	s9 =	sadd.s32 $0xFFFFFEF7, lr;
	s5 =	simm.s32 $0xFFFFFFFF;
	p2 =	slt.u32 s8, $0xFFFFF086  }
0x1c: {  	p1 =	slt.u32 s9, $0xF7A;
	s5 =	simm.s32 @!p2 $0x0  }
0x1d: {  	s5 =	simm.s32 @p1 $0x1;
	p0 =	seq.s32 s7, s2  }
0x1e: {  	s7 =	smul.u32 @!p0 $0xF7A, s2;
	p2 =	seq.s32 @!p0 s5, $0x0  }
0x1f: {  	s9 =	smul.u32 $0xF7A, s1;
	s8 =	simm.s32 @!p0 $0x1BF5;
	p2 =	por !p2, p0  }
0x20: {  	[sflag:s8] =	ssyncset.s32 @!p0 $0xFFFFF086;
	s6 =	sadd.s32 @!p0 s3, s7;
	s7 =	simm.s32 @!p0 $0x108  }
0x21: {  	s3 =	sadd.s32 s3, s9;
	s6 =	sadd.s32 @!p0 $0x88, s6;
	s7 =	simm.s32 @p2 $0x1082  }
0x22: {  	[simem:s7], [sflag:s8] =	dma.local @!p0 [hbm:s6], $0xF7A  }
0x23: {  	s9 =	sor.u32 $0xD0000000, s2;
	s6 =	simm.s32 $0x108;
	_ =	swait.ge @!p0 [sflag:s8], $0x0  }
0x24: {  	s3 =	sadd.s32 $0x88, s3;
	s6 =	simm.s32 @!p1 $0x1082;
	[sflag:s4] =	ssyncset.s32 $0xFFFFF086  }
0x25: {  	[simem:s6], [sflag:s4] =	dma.local [hbm:s3], $0xF7A  }
0x26: {  	[smem:$0x3F99] =	sst s1;
	(tag) =	ssettag s2;
	_ =	strace s9  }
0x27: {  	s1 =	sld [smem:$0x3FA9]  }
0x28: {  	s2 =	sld [smem:$0x3FAA]  }
0x29: {  	s4 =	sld [smem:$0x3FAC]  }
0x2a: {  	p0 =	seq.s32 s5, $0x0;
	s5 =	sld [smem:$0x3FAD]  }
0x2b: {  	s6 =	sld [smem:$0x3FAE]  }
0x2c: {  	s7 =	sld [smem:$0x3FAF]  }
0x2d: {  	s3 =	simm.s32 $0x108;
	s8 =	sld [smem:$0x3FB0]  }
0x2e: {  	s3 =	simm.s32 @!p0 $0x1082;
	s9 =	sld [smem:$0x3FB1]  }
0x2f: {  	lr =	sadd.s32 s0, s3;
	s0 =	sld [smem:$0x3FA8]  }
0x30: {  	s3 =	sld [smem:$0x3FAB]  }
0x31: {  	[smem:$0x3FB4] =	sst s10  }
0x32: {  	s10 =	sld [smem:$0x3FB2];
	_ =	sdelay $0x3  }
0x33: {  	p0 =	seq.s32 s10, $0x1;
	s10 =	sld [smem:$0x3FB4];
	_ =	sdelay $0x3  }
0x34: {  	[smem:$0x3FB4] =	sst s10  }
0x35: {  	s10 =	sld [smem:$0x3FB3];
	_ =	sdelay $0x3  }
0x36: {  	p1 =	seq.s32 s10, $0x1;
	s10 =	sld [smem:$0x3FB4];
	_ =	sdelay $0x3  }
0x37: {  	[smem:$0x3FB4] =	sst s10  }
0x38: {  	s10 =	sld [smem:$0x3FB5]  }
0x39: {  	_ = 	snop;
	(pc) =	sbr.ind lr, $3  }
0x3a: {  	_ = 	snop  }
0x3b: {  	_ = 	snop  }
0x3c: {  	p2 =	seq.s32 s10, $0x1;
	s10 =	sld [smem:$0x3FB4]  }
0x3d: {  	_ =	shalt  }
0x3e: {  	_ =	shalt  }
0x3f: {  	_ =	shalt  }
0x40: {  	_ =	shalt  }
0x41: {  	_ =	shalt  }
0x42: {  	_ =	shalt  }
0x43: {  	_ =	shalt  }
0x44: {  	_ =	shalt  }
0x45: {  	_ =	shalt  }
0x46: {  	_ =	shalt  }
0x47: {  	_ =	shalt  }
0x48: {  	_ =	shalt  }
0x49: {  	_ =	shalt  }
0x4a: {  	_ =	shalt  }
0x4b: {  	_ =	shalt  }
0x4c: {  	_ =	shalt  }
0x4d: {  	_ =	shalt  }
0x4e: {  	_ =	shalt  }
0x4f: {  	_ =	shalt  }
0x50: {  	_ =	shalt  }
0x51: {  	_ =	shalt  }
0x52: {  	_ =	shalt  }
0x53: {  	_ =	shalt  }
0x54: {  	_ =	shalt  }
0x55: {  	_ =	shalt  }
0x56: {  	_ =	shalt  }
0x57: {  	_ =	shalt  }
0x58: {  	_ =	shalt  }
0x59: {  	_ =	shalt  }
0x5a: {  	_ =	shalt  }
0x5b: {  	_ =	shalt  }
0x5c: {  	_ =	shalt  }
0x5d: {  	_ =	shalt  }
0x5e: {  	_ =	shalt  }
0x5f: {  	_ =	shalt  }
0x60: {  	_ =	shalt  }
0x61: {  	_ =	shalt  }
0x62: {  	_ =	shalt  }
0x63: {  	_ =	shalt  }
0x64: {  	_ =	shalt  }
0x65: {  	_ =	shalt  }
0x66: {  	_ =	shalt  }
0x67: {  	_ =	shalt  }
0x68: {  	_ =	shalt  }
0x69: {  	_ =	shalt  }
0x6a: {  	_ =	shalt  }
0x6b: {  	_ =	shalt  }
0x6c: {  	_ =	shalt  }
0x6d: {  	_ =	shalt  }
0x6e: {  	_ =	shalt  }
0x6f: {  	_ =	shalt  }
0x70: {  	_ =	shalt  }
0x71: {  	_ =	shalt  }
0x72: {  	_ =	shalt  }
0x73: {  	_ =	shalt  }
0x74: {  	_ =	shalt  }
0x75: {  	_ =	shalt  }
0x76: {  	_ =	shalt  }
0x77: {  	_ =	shalt  }
0x78: {  	_ =	shalt  }
0x79: {  	_ =	shalt  }
0x7a: {  	_ =	shalt  }
0x7b: {  	_ =	shalt  }
0x7c: {  	_ =	shalt  }
0x7d: {  	_ =	shalt  }
0x7e: {  	_ =	shalt  }
0x7f: {  	_ =	shalt  }
0x80: {  	_ =	shalt  }
0x81: {  	_ =	shalt  }
0x82: {  	_ =	shalt  }
0x83: {  	_ =	shalt  }
0x84: {  	_ =	shalt  }
0x85: {  	_ =	shalt  }
0x86: {  	_ =	shalt  }
0x87: {  	_ =	shalt  }
.Lfunc_end0:
.L_simem_size_0:
called_computation.1_lowered:
.L_overlay_start_0:
0x88: {  	s2 =	sld [smem:$0x3FD9]  }
0x89: {  	s3 =	sld [smem:$0x3FFE];
	_ =	sdelay $0x1  }
0x8a: {  	s1 =	srdreg.scid  }
0x8b: {  	s0 =	sand.u32 $0x1, s1  }
0x8c: {  	s16 =	sshll.u32 s0, $0xA;
	s2 =	sadd.s32 s3, s2  }
0x8d: {  	s2 =	sadd.s32 s2, s16  }
0x8e: {  	[smem:$0x3FC0] =	sst s2  }
0x8f: {  	_ = 	snop  }
0x90: {  	(tm) =	ssettm $0x1  }
0x91: {  	s17 =	sld [smem:$0x3FFB];
	_ =	sdelay $0x3  }
0x92: {  	_ =	strace s17  }
0x93: {  	s2 =	sld [smem:$0x3FFC];
	_ =	sdelay $0x3  }
0x94: {  	_ =	strace s2  }
0x95: {  	s2 =	sld [smem:$0x3FFD];
	_ =	sdelay $0x3  }
0x96: {  	_ =	strace s2  }
0x97: {  	_ =	strace $0x8FFFFFFF  }
0x98: {  	s18 =	sld [smem:$0x3FDB];
	_ =	sdelay $0x1  }
0x99: {  	s19 =	simm.s32 $_scs_section_size  }
0x9a: {  	s4 =	simm.s32 $_size__tile_overlayer_lowered;
	s5 =	simm.s32 $_tile_overlayer_lowered  }
0x9b: {  	s22 =	simm.s32 $0x1BFF;
	s21 =	sshll.u32 s5, $0x1;
	s2 =	sadd.s32 s19, s18  }
0x9c: {  	s6 =	simm.s32 $0x0;
	s20 =	sshll.u32 s4, $0x1;
	s4 =	sadd.s32 s21, s2  }
0x9d: {  	[timem:s6], [sflag:s22] =	dma.local [hbm:s4], s20  }
0x9e: {  	_ =	swait.ge [sflag:s22], s20  }
0x9f: {  	s3 =	ssub.s32 $0x0, s20;
	[sflag:s22] =	ssyncset.done $0x0  }
0xa0: {  	[sflag:s22] =	ssyncadd.s32 s3;
	_ =	sdelay $0x1  }
0xa1: {  	s23 =	simm.s32 $0x1B8B  }
0xa2: {  	_ =	swait.ge [sflag:s23], $0x1  }
0xa3: {  	[sflag:s23] =	ssyncset.done $0x0  }
0xa4: {  	s25 =	simm.s32 $0x1B8E;
	s24 =	sld [smem:$0x3FFE];
	[sflag:s23] =	ssyncadd.s32 $0xFFFFFFFF  }
0xa5: {  	s26 =	simm.s32 $execute0_lowered;
	[smem:$0x3FD2] =	sst s25  }
0xa6: {  	s4 =	sshll.u32 s26, $0x1;
	_ =	strace $0x80000049;
	[dreg:$0x1] =	wrdreg $0xFFFFFFFF  }
0xa7: {  	s28 =	simm.s32 $_size_execute0_lowered;
	s2 =	sadd.s32 s2, s4;
	[dreg:$0x0] =	wrdreg $0x0  }
0xa8: {  	s4 =	sshll.u32 s28, $0x1;
	[dreg:$0x2] =	wrdreg s2  }
0xa9: {  	[dreg:$0x3] =	wrdreg s4  }
0xaa: {  	[dreg:$0x4] =	wrdreg $0xC0  }
0xab: {  	_ =	task [dreg:s6], $0x5FFFF  }
0xac: {  	[dreg:$0x1] =	wrdreg $0xFFFFFFFF  }
0xad: {  	[dreg:$0x0] =	wrdreg $0x60  }
0xae: {  	[dreg:$0x2] =	wrdreg s24  }
0xaf: {  	[dreg:$0x3] =	wrdreg $0x9  }
0xb0: {  	_ =	task.clear_ibuf [dreg:s6], $0x4FFFF;
	_ =	strace $0x90000049  }
0xb1: {  	s29 =	simm.s32 $0x9;
	_ =	strace $0x8000004B  }
0xb2: {  	_ =	swait.ge [sflag:s29], $0x1  }
0xb3: {  	[sflag:s29] =	ssyncadd.s32 $0xFFFFFFFF  }
0xb4: {  	_ =	strace $0x9000004B  }
0xb5: {  	_ =	sfence  }
0xb6: {  	s30 =	sld [smem:$0x0];
	_ =	sdelay $0x2  }
0xb7: {  	s31 =	sshll.u32 s1, $0xD;
	s1 =	sshrl.u32 s1, $0x2  }
0xb8: {  	s3 =	sand.u32 $0x4000, s31;
	s1 =	sadd.s32 s1, s30  }
0xb9: {  	s0 =	sor.u32 s3, s0;
	s1 =	sshll.u32 s1, $0x11  }
0xba: {  	s0 =	sor.u32 s1, s0  }
0xbb: {  	s0 =	sadd.s32 $0x8F2B, s0  }
0xbc: {  	[sflag:s0] =	ssyncadd.remote.s32 $0x1  }
0xbd: {  	_ =	sfence.sel $0xFFFF  }
0xbe: {  	[dreg:$0x0] =	wrdreg $0xFFFFFFFF;
	(pc) =	sbr.abs _section_cstart, $3  }
0xbf: {  	[dreg:$0x1] =	wrdreg $0xFFFFFFFF  }
0xc0: {  	_ =	task.clear_ibuf [dreg:s6], $0x2FFFF;
	_ =	strace $0x9FFFFFFF  }
0xc1: {  	(tm) =	ssettm $0x7FFFFFFF  }
tec
execute0_lowered:
.L_overlay_start_1:
0x0: {  	(tag) =	ssettag $0x1  }
0x1: {  	s5 =	rddreg [dreg:$0x0]  }
0x2: {  	s0 =	rddreg [dreg:$0x1];
	s2 =	simm.s32 $0x0;
	s3 =	srdreg.scid  }
0x3: {  	s1 =	stileid.u32;
	s12 =	simm.s32 $0x3F00;
	s13 =	simm.s32 $0x1  }
0x4: {  	s14 =	simm.s32 $0x6680;
	s15 =	simm.s32 $0x1F80;
	s16 =	simm.s32 $0x8E00  }
0x5: {  	s17 =	simm.s32 $0xB580;
	[smem:$0x7FF] =	sst s2;
	s6 =	sand.u32 $0x1, s3  }
0x6: {  	s28 =	sshll.u32 s1, $0x9;
	s4 =	sshrl.u32 s1, $0x1;
	s9 =	sadd.s32 $0x15E00, s5  }
0x7: {  	s7 =	sshll.u32 s6, $0x8;
	s8 =	smul.u32 $0x13C00, s4;
	s29 =	sand.u32 $0x200, s28  }
0x8: {  	s3 =	sadd.s32 $0xC000, s5;
	s30 =	sadd.s32 $0x29A00, s5;
	s7 =	sor.u32 s7, s29  }
0x9: {  	_ =	strace $0x8000004A;
	s6 =	ssub.s32 $0x2, s6;
	s7 =	sor.u32 s8, s7  }
0xa: {  	s4 =	sadd.s32 $0x2200, s5;
	s31 =	sshrl.u32 s6, $0x1;
	s7 =	sshrl.u32 s7, $0x3  }
0xb: {  	s10 =	ssub.s32 s6, s31;
	s5 =	sadd.s32 s9, s7;
	s11 =	sor.u32 $0x10, s7  }
0xc: {  	s7 =	sadd.s32 s30, s7;
	s6 =	sadd.s32 s9, s11;
	s8 =	sadd.s32 s30, s11  }
0xd: {  	v0 =	vimm.f32 $0.0e+00;
	s9 =	smax.u32 s10, $0x1;
	s10 =	simm.s32 $0x80;
	s11 =	simm.s32 $0x400  }
.LBB2_1:
0xe: {  	[tilespmem:s12], [sflag:$0x1] =	stream.strided.gather [hbm4b:s5+s10], $0x2780, s11, s10, $0x38;
	[tilespmem:$0xDD00] =	vst v63  }
0xf: {  	_ =	swait.ge [sflag:s13], $0x2780  }
0x10: {  	[sflag:s13] =	ssyncset.done $0x0  }
0x11: {  	[sflag:s13] =	ssyncadd.s32 $0xFFFFD880  }
0x12: {  	[tilespmem:s14], [sflag:$0x1] =	stream.strided.gather [hbm4b:s6+s10], $0x2780, s11, s10, $0x38;
	[tilespmem:$0xDD00] =	vst v63  }
0x13: {  	_ =	swait.ge [sflag:s13], $0x2780  }
0x14: {  	[sflag:s13] =	ssyncset.done $0x0  }
0x15: {  	s18 =	simm.s32 $0x40;
	s19 =	simm.s32 $0x0;
	[sflag:s13] =	ssyncadd.s32 $0xFFFFD880  }
.LBB2_2:
0x16: {  	p0 =	sne.s32 s18, $0x9C00;
	[tilespmem:s19+$0x8E00] =	vst v0;
	s20 =	smov.u32 s18;
	s18 =	sadd.s32 $0x40, s18  }
.Ltmp0:
0x17: {  	[tilespmem:s19+$0xB580] =	vst v0;
	(pc) =	sbr.rel @p0 .LBB2_2-.Ltmp0, $2  }
0x18: {  	_ =	sdelay $0x2  }
0x19: {  	s19 =	sshra.s32 s20, $0x2  }
0x1a: {  	[tilespmem:s19+$0x8E00] =	vst v0  }
0x1b: {  	s18 =	simm.s32 $0x0;
	[tilespmem:s19+$0xB580] =	vst v0;
	s19 =	simm.s32 $0x0  }
.LBB2_4:
0x1c: {  	s20 =	smul.u32 $0x3E8, s19;
	_ =	sdelay $0x1  }
0x1d: {  	s21 =	sadd.s32 s3, s20  }
0x1e: {  	[tilespmem:s18], [sflag:$0x1] =	stream.linear.gather [hbm4b:s21+s18], $0x1F40, $0x38;
	[tilespmem:$0xDD00] =	vst v63  }
0x1f: {  	_ =	swait.ge [sflag:s13], $0x1F40  }
0x20: {  	[sflag:s13] =	ssyncset.done $0x0  }
0x21: {  	s20 =	sadd.s32 s4, s20;
	[sflag:s13] =	ssyncadd.s32 $0xFFFFE0C0  }
0x22: {  	[tilespmem:s15], [sflag:$0x1] =	stream.linear.gather [hbm4b:s20+s18], $0x1F40, $0x38;
	[tilespmem:$0xDD00] =	vst v63  }
0x23: {  	_ =	swait.ge [sflag:s13], $0x1F40  }
0x24: {  	[sflag:s13] =	ssyncset.done $0x0  }
0x25: {  	s21 =	simm.s32 $0x0;
	[sflag:s13] =	ssyncadd.s32 $0xFFFFE0C0  }
0x26: {  	s20 =	simm.s32 $0x40;
	v1 =	vld [tilespmem:s21+$0x0]  }
.LBB2_5:
0x27: {  	p0 =	sne.s32 s20, $0x7CC0;
	_ =	sdelay $0x4  }
0x28: {  	v2 =	vld [tilespmem:s21+$0x1F80];
	_ =	sdelay $0x1  }
0x29: {  	v3 =	vld.idx.msk [tilespmem:v1+s12+$0x0], $0xffff  }
0x2a: {  	v1 =	vld.idx.msk [tilespmem:v1+s14+$0x0], $0xffff;
	_ =	sdelay $0x2  }
.Ltmp1:
0x2b: {  	(pc) =	sbr.rel @p0 .LBB2_5-.Ltmp1, $4  }
0x2c: {  	_ = 	snop  }
0x2d: {  	[tilespmem:v2+s16+$0x0] =	vst.idx.add.f32.msk $0xffff, v3  }
0x2e: {  	s21 =	sshra.s32 s20, $0x2;
	[tilespmem:v2+s17+$0x0] =	vst.idx.add.f32.msk $0xffff, v1  }
0x2f: {  	s20 =	sadd.s32 $0x40, s20;
	v1 =	vld [tilespmem:s21+$0x0]  }
0x30: {  	_ =	sdelay $0x4  }
0x31: {  	v2 =	vld [tilespmem:s21+$0x1F80];
	_ =	sdelay $0x2  }
0x32: {  	s19 =	sadd.s32 $0x1, s19;
	v3 =	vld.idx.msk [tilespmem:v1+s12+$0x0], $0xffff  }
0x33: {  	p0 =	sne.s32 s19, $0x28;
	v1 =	vld.idx.msk [tilespmem:v1+s14+$0x0], $0xffff  }
.Ltmp2:
0x34: {  	_ = 	snop;
	(pc) =	sbr.rel @p0 .LBB2_4-.Ltmp2, $3  }
0x35: {  	_ =	sdelay $0x1  }
0x36: {  	[tilespmem:v2+s16+$0x0] =	vst.idx.add.f32.msk $0xffff, v3  }
0x37: {  	[tilespmem:v2+s17+$0x0] =	vst.idx.add.f32.msk $0xffff, v1  }
0x38: {  	[hbm4b:s7+s10] =	stream.strided.scatter [tilespmem:s16], [sflag:$0x1], $0x2780, s11, s10, $0x38;
	[tilespmem:$0xDD00] =	vst v63  }
0x39: {  	s2 =	sadd.s32 $0x1, s2;
	_ =	swait.ge [sflag:s13], $0x2780  }
0x3a: {  	p0 =	sne.s32 s2, s9;
	[sflag:s13] =	ssyncset.done $0x0  }
.Ltmp3:
0x3b: {  	[sflag:s13] =	ssyncadd.s32 $0xFFFFD880;
	(pc) =	sbr.rel @p0 .LBB2_1-.Ltmp3, $4  }
0x3c: {  	[hbm4b:s8+s10] =	stream.strided.scatter [tilespmem:s17], [sflag:$0x1], $0x2780, s11, s10, $0x38;
	[tilespmem:$0xDD00] =	vst v63  }
0x3d: {  	_ =	swait.ge [sflag:s13], $0x2780  }
0x3e: {  	[sflag:s13] =	ssyncset.done $0x0  }
0x3f: {  	[sflag:s13] =	ssyncadd.s32 $0xFFFFD880  }
0x40: {  	_ =	sfence.sel $0x180000  }
0x41: {  	[bflag:$0x0] =	sbarrier.arrive $0xFFFF  }
0x42: {  	p0 =	sne.s32 s1, $0x0;
	_ =	strace $0x9000004A  }
0x43: {  	s0 =	sadd.s32 @!p0 $0x100000, s0;
	[bflag:$0x2] =	sbarrier.arrive $0xFFFF  }
0x44: {  	[sflag:s0] =	ssyncadd.tile.s32 @!p0 $0x1;
	_ =	shalt  }
.Lfunc_end2:
_tile_overlayer_lowered:
.L_overlay_start_2:
0x45: {  	(tag) =	ssettag $0x2  }
0x46: {  	s0 =	rddreg [dreg:$0x0];
	s2 =	stileid.u32  }
0x47: {  	s1 =	rddreg [dreg:$0x1];
	p0 =	sne.s32 s2, $0x0  }
0x48: {  	s3 =	rddreg [dreg:$0x2];
	[bflag:$0x3] =	sbarrier.arrive $0xFFFF;
	s2 =	simm.s32 @!p0 $0x1C01  }
0x49: {  	[timem:s3], [sflag:s2] =	dma.local @!p0 [hbm:s0], s1  }
0x4a: {  	s0 =	simm.s32 @!p0 $0x1  }
0x4b: {  	_ =	swait.ge @!p0 [sflag:s0], s1  }
0x4c: {  	s1 =	ssub.s32 @!p0 $0x0, s1;
	[sflag:s0] =	ssyncset.done @!p0 $0x0  }
0x4d: {  	[sflag:s0] =	ssyncadd.s32 @!p0 s1  }
0x4e: {  	[bflag:$0x3] =	sbarrier.arrive $0xFFFF  }
0x4f: {  	_ =	shalt  }

// kernel: kernel.14.cloned.1.call-start
scs
__scs_entry_jumppad:
0x0: {  	(pc) =	sbr.rel $0x88, $3  }
0x1: {  	(tag) =	ssettag $0x0;
	lr =	simm.s32 $0x1  }
0x2: {  	[smem:$0x3F99] =	sst lr;
	_ =	strace $0xD0000000  }
0x3: {  	_ = 	snop  }
0x4: {  	_ = 	snop  }
0x5: {  	_ = 	snop  }
0x6: {  	_ = 	snop  }
0x7: {  	_ = 	snop  }
__scs_overlays_trampoline_lowered:
0x8: {  	[smem:$0x3FA8] =	sst s0  }
0x9: {  	[smem:$0x3FA9] =	sst s1  }
0xa: {  	[smem:$0x3FAA] =	sst s2  }
0xb: {  	[smem:$0x3FAB] =	sst s3  }
0xc: {  	[smem:$0x3FAC] =	sst s4  }
0xd: {  	[smem:$0x3FAD] =	sst s5  }
0xe: {  	[smem:$0x3FAE] =	sst s6  }
0xf: {  	[smem:$0x3FAF] =	sst s7  }
0x10: {  	[smem:$0x3FB0] =	sst s8  }
0x11: {  	[smem:$0x3FB1] =	sst s9;
	s0 =	simm.s32 @!p0 $0x0  }
0x12: {  	s1 =	sld [smem:$0x3F97];
	s0 =	simm.s32 @p0 $0x1  }
0x13: {  	[smem:$0x3FB2] =	sst s0;
	s0 =	simm.s32 @!p1 $0x0  }
0x14: {  	s2 =	sld [smem:$0x3F96];
	s0 =	simm.s32 @p1 $0x1  }
0x15: {  	[smem:$0x3FB3] =	sst s0;
	s0 =	simm.s32 @!p2 $0x0  }
0x16: {  	s3 =	sld [smem:$0x3FDB];
	s0 =	simm.s32 @p2 $0x1  }
0x17: {  	s4 =	simm.s32 $0x1BF5;
	[smem:$0x3FB5] =	sst s0  }
0x18: {  	s0 =	sld [smem:$0x3F98];
	_ =	swait.ge [sflag:s4], $0x0  }
0x19: {  	s7 =	sld [smem:$0x3F99]  }
0x1a: {  	s8 =	sadd.s32 $0xFFFFE003, lr  }
0x1b: {  	s9 =	sadd.s32 $0xFFFFFEF7, lr;
	s5 =	simm.s32 $0xFFFFFFFF;
	p2 =	slt.u32 s8, $0xFFFFF086  }
0x1c: {  	p1 =	slt.u32 s9, $0xF7A;
	s5 =	simm.s32 @!p2 $0x0  }
0x1d: {  	s5 =	simm.s32 @p1 $0x1;
	p0 =	seq.s32 s7, s2  }
0x1e: {  	s7 =	smul.u32 @!p0 $0xF7A, s2;
	p2 =	seq.s32 @!p0 s5, $0x0  }
0x1f: {  	s9 =	smul.u32 $0xF7A, s1;
	s8 =	simm.s32 @!p0 $0x1BF5;
	p2 =	por !p2, p0  }
0x20: {  	[sflag:s8] =	ssyncset.s32 @!p0 $0xFFFFF086;
	s6 =	sadd.s32 @!p0 s3, s7;
	s7 =	simm.s32 @!p0 $0x108  }
0x21: {  	s3 =	sadd.s32 s3, s9;
	s6 =	sadd.s32 @!p0 $0x88, s6;
	s7 =	simm.s32 @p2 $0x1082  }
0x22: {  	[simem:s7], [sflag:s8] =	dma.local @!p0 [hbm:s6], $0xF7A  }
0x23: {  	s9 =	sor.u32 $0xD0000000, s2;
	s6 =	simm.s32 $0x108;
	_ =	swait.ge @!p0 [sflag:s8], $0x0  }
0x24: {  	s3 =	sadd.s32 $0x88, s3;
	s6 =	simm.s32 @!p1 $0x1082;
	[sflag:s4] =	ssyncset.s32 $0xFFFFF086  }
0x25: {  	[simem:s6], [sflag:s4] =	dma.local [hbm:s3], $0xF7A  }
0x26: {  	[smem:$0x3F99] =	sst s1;
	(tag) =	ssettag s2;
	_ =	strace s9  }
0x27: {  	s1 =	sld [smem:$0x3FA9]  }
0x28: {  	s2 =	sld [smem:$0x3FAA]  }
0x29: {  	s4 =	sld [smem:$0x3FAC]  }
0x2a: {  	p0 =	seq.s32 s5, $0x0;
	s5 =	sld [smem:$0x3FAD]  }
0x2b: {  	s6 =	sld [smem:$0x3FAE]  }
0x2c: {  	s7 =	sld [smem:$0x3FAF]  }
0x2d: {  	s3 =	simm.s32 $0x108;
	s8 =	sld [smem:$0x3FB0]  }
0x2e: {  	s3 =	simm.s32 @!p0 $0x1082;
	s9 =	sld [smem:$0x3FB1]  }
0x2f: {  	lr =	sadd.s32 s0, s3;
	s0 =	sld [smem:$0x3FA8]  }
0x30: {  	s3 =	sld [smem:$0x3FAB]  }
0x31: {  	[smem:$0x3FB4] =	sst s10  }
0x32: {  	s10 =	sld [smem:$0x3FB2];
	_ =	sdelay $0x3  }
0x33: {  	p0 =	seq.s32 s10, $0x1;
	s10 =	sld [smem:$0x3FB4];
	_ =	sdelay $0x3  }
0x34: {  	[smem:$0x3FB4] =	sst s10  }
0x35: {  	s10 =	sld [smem:$0x3FB3];
	_ =	sdelay $0x3  }
0x36: {  	p1 =	seq.s32 s10, $0x1;
	s10 =	sld [smem:$0x3FB4];
	_ =	sdelay $0x3  }
0x37: {  	[smem:$0x3FB4] =	sst s10  }
0x38: {  	s10 =	sld [smem:$0x3FB5]  }
0x39: {  	_ = 	snop;
	(pc) =	sbr.ind lr, $3  }
0x3a: {  	_ = 	snop  }
0x3b: {  	_ = 	snop  }
0x3c: {  	p2 =	seq.s32 s10, $0x1;
	s10 =	sld [smem:$0x3FB4]  }
0x3d: {  	_ =	shalt  }
0x3e: {  	_ =	shalt  }
0x3f: {  	_ =	shalt  }
0x40: {  	_ =	shalt  }
0x41: {  	_ =	shalt  }
0x42: {  	_ =	shalt  }
0x43: {  	_ =	shalt  }
0x44: {  	_ =	shalt  }
0x45: {  	_ =	shalt  }
0x46: {  	_ =	shalt  }
0x47: {  	_ =	shalt  }
0x48: {  	_ =	shalt  }
0x49: {  	_ =	shalt  }
0x4a: {  	_ =	shalt  }
0x4b: {  	_ =	shalt  }
0x4c: {  	_ =	shalt  }
0x4d: {  	_ =	shalt  }
0x4e: {  	_ =	shalt  }
0x4f: {  	_ =	shalt  }
0x50: {  	_ =	shalt  }
0x51: {  	_ =	shalt  }
0x52: {  	_ =	shalt  }
0x53: {  	_ =	shalt  }
0x54: {  	_ =	shalt  }
0x55: {  	_ =	shalt  }
0x56: {  	_ =	shalt  }
0x57: {  	_ =	shalt  }
0x58: {  	_ =	shalt  }
0x59: {  	_ =	shalt  }
0x5a: {  	_ =	shalt  }
0x5b: {  	_ =	shalt  }
0x5c: {  	_ =	shalt  }
0x5d: {  	_ =	shalt  }
0x5e: {  	_ =	shalt  }
0x5f: {  	_ =	shalt  }
0x60: {  	_ =	shalt  }
0x61: {  	_ =	shalt  }
0x62: {  	_ =	shalt  }
0x63: {  	_ =	shalt  }
0x64: {  	_ =	shalt  }
0x65: {  	_ =	shalt  }
0x66: {  	_ =	shalt  }
0x67: {  	_ =	shalt  }
0x68: {  	_ =	shalt  }
0x69: {  	_ =	shalt  }
0x6a: {  	_ =	shalt  }
0x6b: {  	_ =	shalt  }
0x6c: {  	_ =	shalt  }
0x6d: {  	_ =	shalt  }
0x6e: {  	_ =	shalt  }
0x6f: {  	_ =	shalt  }
0x70: {  	_ =	shalt  }
0x71: {  	_ =	shalt  }
0x72: {  	_ =	shalt  }
0x73: {  	_ =	shalt  }
0x74: {  	_ =	shalt  }
0x75: {  	_ =	shalt  }
0x76: {  	_ =	shalt  }
0x77: {  	_ =	shalt  }
0x78: {  	_ =	shalt  }
0x79: {  	_ =	shalt  }
0x7a: {  	_ =	shalt  }
0x7b: {  	_ =	shalt  }
0x7c: {  	_ =	shalt  }
0x7d: {  	_ =	shalt  }
0x7e: {  	_ =	shalt  }
0x7f: {  	_ =	shalt  }
0x80: {  	_ =	shalt  }
0x81: {  	_ =	shalt  }
0x82: {  	_ =	shalt  }
0x83: {  	_ =	shalt  }
0x84: {  	_ =	shalt  }
0x85: {  	_ =	shalt  }
0x86: {  	_ =	shalt  }
0x87: {  	_ =	shalt  }
.Lfunc_end0:
.L_simem_size_0:
called_computation.2_lowered:
.L_overlay_start_0:
0x88: {  	s2 =	sld [smem:$0x3FD9]  }
0x89: {  	s3 =	sld [smem:$0x3FFE];
	_ =	sdelay $0x1  }
0x8a: {  	s1 =	srdreg.scid  }
0x8b: {  	s0 =	sand.u32 $0x1, s1  }
0x8c: {  	s16 =	sshll.u32 s0, $0xA;
	s2 =	sadd.s32 s3, s2  }
0x8d: {  	s2 =	sadd.s32 s2, s16  }
0x8e: {  	[smem:$0x3FC0] =	sst s2  }
0x8f: {  	_ = 	snop  }
0x90: {  	(tm) =	ssettm $0x1  }
0x91: {  	s17 =	sld [smem:$0x3FFB];
	_ =	sdelay $0x3  }
0x92: {  	_ =	strace s17  }
0x93: {  	s2 =	sld [smem:$0x3FFC];
	_ =	sdelay $0x3  }
0x94: {  	_ =	strace s2  }
0x95: {  	s2 =	sld [smem:$0x3FFD];
	_ =	sdelay $0x3  }
0x96: {  	_ =	strace s2  }
0x97: {  	_ =	strace $0x8FFFFFFF  }
0x98: {  	s18 =	sld [smem:$0x3FDB];
	_ =	sdelay $0x1  }
0x99: {  	s19 =	simm.s32 $_scs_section_size  }
0x9a: {  	s4 =	simm.s32 $_size__tile_overlayer_lowered;
	s5 =	simm.s32 $_tile_overlayer_lowered  }
0x9b: {  	s22 =	simm.s32 $0x1BFF;
	s21 =	sshll.u32 s5, $0x1;
	s2 =	sadd.s32 s19, s18  }
0x9c: {  	s6 =	simm.s32 $0x0;
	s20 =	sshll.u32 s4, $0x1;
	s4 =	sadd.s32 s21, s2  }
0x9d: {  	[timem:s6], [sflag:s22] =	dma.local [hbm:s4], s20  }
0x9e: {  	_ =	swait.ge [sflag:s22], s20  }
0x9f: {  	s3 =	ssub.s32 $0x0, s20;
	[sflag:s22] =	ssyncset.done $0x0  }
0xa0: {  	[sflag:s22] =	ssyncadd.s32 s3;
	_ =	sdelay $0x1  }
0xa1: {  	s23 =	simm.s32 $0x1B8B  }
0xa2: {  	_ =	swait.ge [sflag:s23], $0x1  }
0xa3: {  	[sflag:s23] =	ssyncset.done $0x0  }
0xa4: {  	s25 =	simm.s32 $0x1B8E;
	s24 =	sld [smem:$0x3FFE];
	[sflag:s23] =	ssyncadd.s32 $0xFFFFFFFF  }
0xa5: {  	s26 =	simm.s32 $execute0_lowered;
	[smem:$0x3FD2] =	sst s25  }
0xa6: {  	s4 =	sshll.u32 s26, $0x1;
	_ =	strace $0x8000004C;
	[dreg:$0x1] =	wrdreg $0xFFFFFFFF  }
0xa7: {  	s28 =	simm.s32 $_size_execute0_lowered;
	s2 =	sadd.s32 s2, s4;
	[dreg:$0x0] =	wrdreg $0x0  }
0xa8: {  	s4 =	sshll.u32 s28, $0x1;
	[dreg:$0x2] =	wrdreg s2  }
0xa9: {  	[dreg:$0x3] =	wrdreg s4  }
0xaa: {  	[dreg:$0x4] =	wrdreg $0xC0  }
0xab: {  	_ =	task [dreg:s6], $0x5FFFF  }
0xac: {  	[dreg:$0x1] =	wrdreg $0xFFFFFFFF  }
0xad: {  	[dreg:$0x0] =	wrdreg $0x60  }
0xae: {  	[dreg:$0x2] =	wrdreg s24  }
0xaf: {  	[dreg:$0x3] =	wrdreg $0x9  }
0xb0: {  	_ =	task.clear_ibuf [dreg:s6], $0x4FFFF;
	_ =	strace $0x9000004C  }
0xb1: {  	s29 =	simm.s32 $0x9;
	_ =	strace $0x8000004E  }
0xb2: {  	_ =	swait.ge [sflag:s29], $0x1  }
0xb3: {  	[sflag:s29] =	ssyncadd.s32 $0xFFFFFFFF  }
0xb4: {  	_ =	strace $0x9000004E  }
0xb5: {  	_ =	sfence  }
0xb6: {  	s30 =	sld [smem:$0x0];
	_ =	sdelay $0x2  }
0xb7: {  	s31 =	sshll.u32 s1, $0xD;
	s1 =	sshrl.u32 s1, $0x2  }
0xb8: {  	s3 =	sand.u32 $0x4000, s31;
	s1 =	sadd.s32 s1, s30  }
0xb9: {  	s0 =	sor.u32 s3, s0;
	s1 =	sshll.u32 s1, $0x11  }
0xba: {  	s0 =	sor.u32 s1, s0  }
0xbb: {  	s0 =	sadd.s32 $0x8F2B, s0  }
0xbc: {  	[sflag:s0] =	ssyncadd.remote.s32 $0x1  }
0xbd: {  	_ =	sfence.sel $0xFFFF  }
0xbe: {  	[dreg:$0x0] =	wrdreg $0xFFFFFFFF;
	(pc) =	sbr.abs _section_cstart, $3  }
0xbf: {  	[dreg:$0x1] =	wrdreg $0xFFFFFFFF  }
0xc0: {  	_ =	task.clear_ibuf [dreg:s6], $0x2FFFF;
	_ =	strace $0x9FFFFFFF  }
0xc1: {  	(tm) =	ssettm $0x7FFFFFFF  }
tec
execute0_lowered:
.L_overlay_start_1:
0x0: {  	(tag) =	ssettag $0x1  }
0x1: {  	s1 =	srdreg.scid;
	s0 =	stileid.u32  }
0x2: {  	s5 =	rddreg [dreg:$0x0];
	s2 =	simm.s32 $0x0;
	s10 =	simm.s32 $0x80  }
0x3: {  	s11 =	simm.s32 $0x100;
	s12 =	simm.s32 $0x4F00;
	s13 =	simm.s32 $0x1  }
0x4: {  	s14 =	simm.s32 $0x7680;
	s15 =	simm.s32 $0x2780;
	s16 =	simm.s32 $0x9E00  }
0x5: {  	s4 =	sand.u32 $0x1, s1;
	s30 =	sshll.u32 s0, $0x1;
	s1 =	rddreg [dreg:$0x1]  }
0x6: {  	s17 =	simm.s32 $0xC580;
	[smem:$0x7FF] =	sst s2;
	s3 =	sor.u32 s4, s30  }
0x7: {  	_ =	strace $0x8000004D;
	s4 =	ssub.s32 $0x2, s4;
	s6 =	smul.u32 $0x4E2, s3  }
0x8: {  	s7 =	smul.u32 $0x9E0, s3;
	s3 =	sadd.s32 $0x15E00, s5;
	s31 =	sshrl.u32 s4, $0x1  }
0x9: {  	s9 =	ssub.s32 s4, s31;
	s4 =	sadd.s32 $0x15E10, s5;
	s6 =	sadd.s32 s6, s5  }
0xa: {  	s8 =	sadd.s32 s7, s5;
	s9 =	smax.u32 s9, $0x1;
	s5 =	sadd.s32 $0xC000, s6  }
0xb: {  	v0 =	vimm.f32 $0.0e+00;
	s6 =	sadd.s32 $0x2200, s6;
	s7 =	sadd.s32 $0x16800, s8;
	s8 =	sadd.s32 $0x16810, s8  }
.LBB2_1:
0xc: {  	[tilespmem:s12], [sflag:$0x1] =	stream.strided.gather [hbm4b:s3+s10], $0x2780, s11, s10, $0x38;
	[tilespmem:$0xED00] =	vst v63  }
0xd: {  	_ =	swait.ge [sflag:s13], $0x2780  }
0xe: {  	[sflag:s13] =	ssyncset.done $0x0  }
0xf: {  	[sflag:s13] =	ssyncadd.s32 $0xFFFFD880  }
0x10: {  	[tilespmem:s14], [sflag:$0x1] =	stream.strided.gather [hbm4b:s4+s10], $0x2780, s11, s10, $0x38;
	[tilespmem:$0xED00] =	vst v63  }
0x11: {  	_ =	swait.ge [sflag:s13], $0x2780  }
0x12: {  	[sflag:s13] =	ssyncset.done $0x0  }
0x13: {  	s18 =	simm.s32 $0x40;
	s19 =	simm.s32 $0x0;
	[sflag:s13] =	ssyncadd.s32 $0xFFFFD880  }
.LBB2_2:
0x14: {  	p0 =	sne.s32 s18, $0x9C00;
	[tilespmem:s19+$0x9E00] =	vst v0;
	s20 =	smov.u32 s18;
	s18 =	sadd.s32 $0x40, s18  }
.Ltmp0:
0x15: {  	[tilespmem:s19+$0xC580] =	vst v0;
	(pc) =	sbr.rel @p0 .LBB2_2-.Ltmp0, $2  }
0x16: {  	_ =	sdelay $0x2  }
0x17: {  	s19 =	sshra.s32 s20, $0x2  }
0x18: {  	[tilespmem:s19+$0x9E00] =	vst v0  }
0x19: {  	[tilespmem:s19+$0xC580] =	vst v0;
	s18 =	simm.s32 $0x0  }
0x1a: {  	[tilespmem:s18], [sflag:$0x1] =	stream.linear.gather [hbm4b:s5+s18], $0x2710, $0x38;
	[tilespmem:$0xED00] =	vst v63  }
0x1b: {  	_ =	swait.ge [sflag:s13], $0x2710  }
0x1c: {  	[sflag:s13] =	ssyncset.done $0x0  }
0x1d: {  	[sflag:s13] =	ssyncadd.s32 $0xFFFFD8F0  }
0x1e: {  	[tilespmem:s15], [sflag:$0x1] =	stream.linear.gather [hbm4b:s6+s18], $0x2710, $0x38;
	[tilespmem:$0xED00] =	vst v63  }
0x1f: {  	_ =	swait.ge [sflag:s13], $0x2710  }
0x20: {  	[sflag:s13] =	ssyncset.done $0x0  }
0x21: {  	s19 =	simm.s32 $0x0;
	[sflag:s13] =	ssyncadd.s32 $0xFFFFD8F0  }
0x22: {  	s18 =	simm.s32 $0x40;
	v1 =	vld [tilespmem:s19+$0x0]  }
.LBB2_4:
0x23: {  	p0 =	sne.s32 s18, $0x9C00;
	_ =	sdelay $0x4  }
0x24: {  	v2 =	vld [tilespmem:s19+$0x2780];
	_ =	sdelay $0x1  }
0x25: {  	v3 =	vld.idx.msk [tilespmem:v1+s12+$0x0], $0xffff  }
0x26: {  	v1 =	vld.idx.msk [tilespmem:v1+s14+$0x0], $0xffff;
	_ =	sdelay $0x2  }
.Ltmp1:
0x27: {  	(pc) =	sbr.rel @p0 .LBB2_4-.Ltmp1, $4  }
0x28: {  	_ = 	snop  }
0x29: {  	[tilespmem:v2+s16+$0x0] =	vst.idx.add.f32.msk $0xffff, v3  }
0x2a: {  	s19 =	sshra.s32 s18, $0x2;
	[tilespmem:v2+s17+$0x0] =	vst.idx.add.f32.msk $0xffff, v1  }
0x2b: {  	s18 =	sadd.s32 $0x40, s18;
	v1 =	vld [tilespmem:s19+$0x0]  }
0x2c: {  	_ =	sdelay $0x4  }
0x2d: {  	v2 =	vld [tilespmem:s19+$0x2780];
	_ =	sdelay $0x2  }
0x2e: {  	v3 =	vld.idx.msk [tilespmem:v1+s12+$0x0], $0xffff  }
0x2f: {  	v1 =	vld.idx.msk [tilespmem:v1+s14+$0x0], $0xffff;
	_ =	sdelay $0x3  }
0x30: {  	[tilespmem:v2+s16+$0x0] =	vst.idx.add.f32.msk $0xffff, v3  }
0x31: {  	[tilespmem:v2+s17+$0x0] =	vst.idx.add.f32.msk $0xffff, v1  }
0x32: {  	[hbm4b:s7+s10] =	stream.strided.scatter [tilespmem:s16], [sflag:$0x1], $0x2780, s11, s10, $0x38;
	[tilespmem:$0xED00] =	vst v63  }
0x33: {  	s2 =	sadd.s32 $0x1, s2;
	_ =	swait.ge [sflag:s13], $0x2780  }
0x34: {  	p0 =	sne.s32 s2, s9;
	[sflag:s13] =	ssyncset.done $0x0  }
.Ltmp2:
0x35: {  	[sflag:s13] =	ssyncadd.s32 $0xFFFFD880;
	(pc) =	sbr.rel @p0 .LBB2_1-.Ltmp2, $4  }
0x36: {  	[hbm4b:s8+s10] =	stream.strided.scatter [tilespmem:s17], [sflag:$0x1], $0x2780, s11, s10, $0x38;
	[tilespmem:$0xED00] =	vst v63  }
0x37: {  	_ =	swait.ge [sflag:s13], $0x2780  }
0x38: {  	[sflag:s13] =	ssyncset.done $0x0  }
0x39: {  	[sflag:s13] =	ssyncadd.s32 $0xFFFFD880  }
0x3a: {  	_ =	sfence.sel $0x180000  }
0x3b: {  	[bflag:$0x0] =	sbarrier.arrive $0xFFFF  }
0x3c: {  	p0 =	sne.s32 s0, $0x0;
	_ =	strace $0x9000004D  }
0x3d: {  	s0 =	sadd.s32 @!p0 $0x100000, s1;
	[bflag:$0x2] =	sbarrier.arrive $0xFFFF  }
0x3e: {  	[sflag:s0] =	ssyncadd.tile.s32 @!p0 $0x1;
	_ =	shalt  }
.Lfunc_end2:
_tile_overlayer_lowered:
.L_overlay_start_2:
0x3f: {  	(tag) =	ssettag $0x2  }
0x40: {  	s0 =	rddreg [dreg:$0x0];
	s2 =	stileid.u32  }
0x41: {  	s1 =	rddreg [dreg:$0x1];
	p0 =	sne.s32 s2, $0x0  }
0x42: {  	s3 =	rddreg [dreg:$0x2];
	[bflag:$0x3] =	sbarrier.arrive $0xFFFF;
	s2 =	simm.s32 @!p0 $0x1C01  }
0x43: {  	[timem:s3], [sflag:s2] =	dma.local @!p0 [hbm:s0], s1  }
0x44: {  	s0 =	simm.s32 @!p0 $0x1  }
0x45: {  	_ =	swait.ge @!p0 [sflag:s0], s1  }
0x46: {  	s1 =	ssub.s32 @!p0 $0x0, s1;
	[sflag:s0] =	ssyncset.done @!p0 $0x0  }
0x47: {  	[sflag:s0] =	ssyncadd.s32 @!p0 s1  }
0x48: {  	[bflag:$0x3] =	sbarrier.arrive $0xFFFF  }
0x49: {  	_ =	shalt  }

// kernel: kernel.8.cloned.1.call-start
scs
__scs_entry_jumppad:
0x0: {  	(pc) =	sbr.rel $0x88, $3  }
0x1: {  	(tag) =	ssettag $0x0;
	lr =	simm.s32 $0x1  }
0x2: {  	[smem:$0x3F99] =	sst lr;
	_ =	strace $0xD0000000  }
0x3: {  	_ = 	snop  }
0x4: {  	_ = 	snop  }
0x5: {  	_ = 	snop  }
0x6: {  	_ = 	snop  }
0x7: {  	_ = 	snop  }
__scs_overlays_trampoline_lowered:
0x8: {  	[smem:$0x3FA8] =	sst s0  }
0x9: {  	[smem:$0x3FA9] =	sst s1  }
0xa: {  	[smem:$0x3FAA] =	sst s2  }
0xb: {  	[smem:$0x3FAB] =	sst s3  }
0xc: {  	[smem:$0x3FAC] =	sst s4  }
0xd: {  	[smem:$0x3FAD] =	sst s5  }
0xe: {  	[smem:$0x3FAE] =	sst s6  }
0xf: {  	[smem:$0x3FAF] =	sst s7  }
0x10: {  	[smem:$0x3FB0] =	sst s8  }
0x11: {  	[smem:$0x3FB1] =	sst s9;
	s0 =	simm.s32 @!p0 $0x0  }
0x12: {  	s1 =	sld [smem:$0x3F97];
	s0 =	simm.s32 @p0 $0x1  }
0x13: {  	[smem:$0x3FB2] =	sst s0;
	s0 =	simm.s32 @!p1 $0x0  }
0x14: {  	s2 =	sld [smem:$0x3F96];
	s0 =	simm.s32 @p1 $0x1  }
0x15: {  	[smem:$0x3FB3] =	sst s0;
	s0 =	simm.s32 @!p2 $0x0  }
0x16: {  	s3 =	sld [smem:$0x3FDB];
	s0 =	simm.s32 @p2 $0x1  }
0x17: {  	s4 =	simm.s32 $0x1BF5;
	[smem:$0x3FB5] =	sst s0  }
0x18: {  	s0 =	sld [smem:$0x3F98];
	_ =	swait.ge [sflag:s4], $0x0  }
0x19: {  	s7 =	sld [smem:$0x3F99]  }
0x1a: {  	s8 =	sadd.s32 $0xFFFFE003, lr  }
0x1b: {  	s9 =	sadd.s32 $0xFFFFFEF7, lr;
	s5 =	simm.s32 $0xFFFFFFFF;
	p2 =	slt.u32 s8, $0xFFFFF086  }
0x1c: {  	p1 =	slt.u32 s9, $0xF7A;
	s5 =	simm.s32 @!p2 $0x0  }
0x1d: {  	s5 =	simm.s32 @p1 $0x1;
	p0 =	seq.s32 s7, s2  }
0x1e: {  	s7 =	smul.u32 @!p0 $0xF7A, s2;
	p2 =	seq.s32 @!p0 s5, $0x0  }
0x1f: {  	s9 =	smul.u32 $0xF7A, s1;
	s8 =	simm.s32 @!p0 $0x1BF5;
	p2 =	por !p2, p0  }
0x20: {  	[sflag:s8] =	ssyncset.s32 @!p0 $0xFFFFF086;
	s6 =	sadd.s32 @!p0 s3, s7;
	s7 =	simm.s32 @!p0 $0x108  }
0x21: {  	s3 =	sadd.s32 s3, s9;
	s6 =	sadd.s32 @!p0 $0x88, s6;
	s7 =	simm.s32 @p2 $0x1082  }
0x22: {  	[simem:s7], [sflag:s8] =	dma.local @!p0 [hbm:s6], $0xF7A  }
0x23: {  	s9 =	sor.u32 $0xD0000000, s2;
	s6 =	simm.s32 $0x108;
	_ =	swait.ge @!p0 [sflag:s8], $0x0  }
0x24: {  	s3 =	sadd.s32 $0x88, s3;
	s6 =	simm.s32 @!p1 $0x1082;
	[sflag:s4] =	ssyncset.s32 $0xFFFFF086  }
0x25: {  	[simem:s6], [sflag:s4] =	dma.local [hbm:s3], $0xF7A  }
0x26: {  	[smem:$0x3F99] =	sst s1;
	(tag) =	ssettag s2;
	_ =	strace s9  }
0x27: {  	s1 =	sld [smem:$0x3FA9]  }
0x28: {  	s2 =	sld [smem:$0x3FAA]  }
0x29: {  	s4 =	sld [smem:$0x3FAC]  }
0x2a: {  	p0 =	seq.s32 s5, $0x0;
	s5 =	sld [smem:$0x3FAD]  }
0x2b: {  	s6 =	sld [smem:$0x3FAE]  }
0x2c: {  	s7 =	sld [smem:$0x3FAF]  }
0x2d: {  	s3 =	simm.s32 $0x108;
	s8 =	sld [smem:$0x3FB0]  }
0x2e: {  	s3 =	simm.s32 @!p0 $0x1082;
	s9 =	sld [smem:$0x3FB1]  }
0x2f: {  	lr =	sadd.s32 s0, s3;
	s0 =	sld [smem:$0x3FA8]  }
0x30: {  	s3 =	sld [smem:$0x3FAB]  }
0x31: {  	[smem:$0x3FB4] =	sst s10  }
0x32: {  	s10 =	sld [smem:$0x3FB2];
	_ =	sdelay $0x3  }
0x33: {  	p0 =	seq.s32 s10, $0x1;
	s10 =	sld [smem:$0x3FB4];
	_ =	sdelay $0x3  }
0x34: {  	[smem:$0x3FB4] =	sst s10  }
0x35: {  	s10 =	sld [smem:$0x3FB3];
	_ =	sdelay $0x3  }
0x36: {  	p1 =	seq.s32 s10, $0x1;
	s10 =	sld [smem:$0x3FB4];
	_ =	sdelay $0x3  }
0x37: {  	[smem:$0x3FB4] =	sst s10  }
0x38: {  	s10 =	sld [smem:$0x3FB5]  }
0x39: {  	_ = 	snop;
	(pc) =	sbr.ind lr, $3  }
0x3a: {  	_ = 	snop  }
0x3b: {  	_ = 	snop  }
0x3c: {  	p2 =	seq.s32 s10, $0x1;
	s10 =	sld [smem:$0x3FB4]  }
0x3d: {  	_ =	shalt  }
0x3e: {  	_ =	shalt  }
0x3f: {  	_ =	shalt  }
0x40: {  	_ =	shalt  }
0x41: {  	_ =	shalt  }
0x42: {  	_ =	shalt  }
0x43: {  	_ =	shalt  }
0x44: {  	_ =	shalt  }
0x45: {  	_ =	shalt  }
0x46: {  	_ =	shalt  }
0x47: {  	_ =	shalt  }
0x48: {  	_ =	shalt  }
0x49: {  	_ =	shalt  }
0x4a: {  	_ =	shalt  }
0x4b: {  	_ =	shalt  }
0x4c: {  	_ =	shalt  }
0x4d: {  	_ =	shalt  }
0x4e: {  	_ =	shalt  }
0x4f: {  	_ =	shalt  }
0x50: {  	_ =	shalt  }
0x51: {  	_ =	shalt  }
0x52: {  	_ =	shalt  }
0x53: {  	_ =	shalt  }
0x54: {  	_ =	shalt  }
0x55: {  	_ =	shalt  }
0x56: {  	_ =	shalt  }
0x57: {  	_ =	shalt  }
0x58: {  	_ =	shalt  }
0x59: {  	_ =	shalt  }
0x5a: {  	_ =	shalt  }
0x5b: {  	_ =	shalt  }
0x5c: {  	_ =	shalt  }
0x5d: {  	_ =	shalt  }
0x5e: {  	_ =	shalt  }
0x5f: {  	_ =	shalt  }
0x60: {  	_ =	shalt  }
0x61: {  	_ =	shalt  }
0x62: {  	_ =	shalt  }
0x63: {  	_ =	shalt  }
0x64: {  	_ =	shalt  }
0x65: {  	_ =	shalt  }
0x66: {  	_ =	shalt  }
0x67: {  	_ =	shalt  }
0x68: {  	_ =	shalt  }
0x69: {  	_ =	shalt  }
0x6a: {  	_ =	shalt  }
0x6b: {  	_ =	shalt  }
0x6c: {  	_ =	shalt  }
0x6d: {  	_ =	shalt  }
0x6e: {  	_ =	shalt  }
0x6f: {  	_ =	shalt  }
0x70: {  	_ =	shalt  }
0x71: {  	_ =	shalt  }
0x72: {  	_ =	shalt  }
0x73: {  	_ =	shalt  }
0x74: {  	_ =	shalt  }
0x75: {  	_ =	shalt  }
0x76: {  	_ =	shalt  }
0x77: {  	_ =	shalt  }
0x78: {  	_ =	shalt  }
0x79: {  	_ =	shalt  }
0x7a: {  	_ =	shalt  }
0x7b: {  	_ =	shalt  }
0x7c: {  	_ =	shalt  }
0x7d: {  	_ =	shalt  }
0x7e: {  	_ =	shalt  }
0x7f: {  	_ =	shalt  }
0x80: {  	_ =	shalt  }
0x81: {  	_ =	shalt  }
0x82: {  	_ =	shalt  }
0x83: {  	_ =	shalt  }
0x84: {  	_ =	shalt  }
0x85: {  	_ =	shalt  }
0x86: {  	_ =	shalt  }
0x87: {  	_ =	shalt  }
.Lfunc_end0:
.L_simem_size_0:
called_computation_lowered:
.L_overlay_start_0:
0x88: {  	s2 =	sld [smem:$0x3FD9]  }
0x89: {  	s3 =	sld [smem:$0x3FFE];
	_ =	sdelay $0x1  }
0x8a: {  	s1 =	srdreg.scid  }
0x8b: {  	s0 =	sand.u32 $0x1, s1  }
0x8c: {  	s16 =	sshll.u32 s0, $0xA;
	s2 =	sadd.s32 s3, s2  }
0x8d: {  	s2 =	sadd.s32 s2, s16  }
0x8e: {  	[smem:$0x3FC0] =	sst s2  }
0x8f: {  	_ = 	snop  }
0x90: {  	(tm) =	ssettm $0x1  }
0x91: {  	s17 =	sld [smem:$0x3FFB];
	_ =	sdelay $0x3  }
0x92: {  	_ =	strace s17  }
0x93: {  	s2 =	sld [smem:$0x3FFC];
	_ =	sdelay $0x3  }
0x94: {  	_ =	strace s2  }
0x95: {  	s2 =	sld [smem:$0x3FFD];
	_ =	sdelay $0x3  }
0x96: {  	_ =	strace s2  }
0x97: {  	_ =	strace $0x8FFFFFFF  }
0x98: {  	s18 =	sld [smem:$0x3FDB];
	_ =	sdelay $0x1  }
0x99: {  	s19 =	simm.s32 $_scs_section_size  }
0x9a: {  	s4 =	simm.s32 $_size__tile_overlayer_lowered;
	s5 =	simm.s32 $_tile_overlayer_lowered  }
0x9b: {  	s22 =	simm.s32 $0x1BFF;
	s21 =	sshll.u32 s5, $0x1;
	s2 =	sadd.s32 s19, s18  }
0x9c: {  	s6 =	simm.s32 $0x0;
	s20 =	sshll.u32 s4, $0x1;
	s4 =	sadd.s32 s21, s2  }
0x9d: {  	[timem:s6], [sflag:s22] =	dma.local [hbm:s4], s20  }
0x9e: {  	_ =	swait.ge [sflag:s22], s20  }
0x9f: {  	s3 =	ssub.s32 $0x0, s20;
	[sflag:s22] =	ssyncset.done $0x0  }
0xa0: {  	[sflag:s22] =	ssyncadd.s32 s3;
	_ =	sdelay $0x1  }
0xa1: {  	s23 =	simm.s32 $0x1B8B  }
0xa2: {  	_ =	swait.ge [sflag:s23], $0x1  }
0xa3: {  	[sflag:s23] =	ssyncset.done $0x0  }
0xa4: {  	s25 =	simm.s32 $0x1B8E;
	s24 =	sld [smem:$0x3FFE];
	[sflag:s23] =	ssyncadd.s32 $0xFFFFFFFF  }
0xa5: {  	s26 =	simm.s32 $execute0_lowered;
	[smem:$0x3FD2] =	sst s25  }
0xa6: {  	s4 =	sshll.u32 s26, $0x1;
	_ =	strace $0x80000046;
	[dreg:$0x1] =	wrdreg $0xFFFFFFFF  }
0xa7: {  	s28 =	simm.s32 $_size_execute0_lowered;
	s2 =	sadd.s32 s2, s4;
	[dreg:$0x0] =	wrdreg $0x0  }
0xa8: {  	s4 =	sshll.u32 s28, $0x1;
	[dreg:$0x2] =	wrdreg s2  }
0xa9: {  	[dreg:$0x3] =	wrdreg s4  }
0xaa: {  	[dreg:$0x4] =	wrdreg $0xC0  }
0xab: {  	_ =	task [dreg:s6], $0x5FFFF  }
0xac: {  	[dreg:$0x1] =	wrdreg $0xFFFFFFFF  }
0xad: {  	[dreg:$0x0] =	wrdreg $0x60  }
0xae: {  	[dreg:$0x2] =	wrdreg s24  }
0xaf: {  	[dreg:$0x3] =	wrdreg $0x9  }
0xb0: {  	_ =	task.clear_ibuf [dreg:s6], $0x4FFFF;
	_ =	strace $0x90000046  }
0xb1: {  	s29 =	simm.s32 $0x9;
	_ =	strace $0x80000048  }
0xb2: {  	_ =	swait.ge [sflag:s29], $0x1  }
0xb3: {  	[sflag:s29] =	ssyncadd.s32 $0xFFFFFFFF  }
0xb4: {  	_ =	strace $0x90000048  }
0xb5: {  	_ =	sfence  }
0xb6: {  	s30 =	sld [smem:$0x0];
	_ =	sdelay $0x2  }
0xb7: {  	s31 =	sshll.u32 s1, $0xD;
	s1 =	sshrl.u32 s1, $0x2  }
0xb8: {  	s3 =	sand.u32 $0x4000, s31;
	s1 =	sadd.s32 s1, s30  }
0xb9: {  	s0 =	sor.u32 s3, s0;
	s1 =	sshll.u32 s1, $0x11  }
0xba: {  	s0 =	sor.u32 s1, s0  }
0xbb: {  	s0 =	sadd.s32 $0x8F2B, s0  }
0xbc: {  	[sflag:s0] =	ssyncadd.remote.s32 $0x1  }
0xbd: {  	_ =	sfence.sel $0xFFFF  }
0xbe: {  	[dreg:$0x0] =	wrdreg $0xFFFFFFFF;
	(pc) =	sbr.abs _section_cstart, $3  }
0xbf: {  	[dreg:$0x1] =	wrdreg $0xFFFFFFFF  }
0xc0: {  	_ =	task.clear_ibuf [dreg:s6], $0x2FFFF;
	_ =	strace $0x9FFFFFFF  }
0xc1: {  	(tm) =	ssettm $0x7FFFFFFF  }
tec
execute0_lowered:
.L_overlay_start_1:
0x0: {  	(tag) =	ssettag $0x1  }
0x1: {  	s1 =	srdreg.scid  }
0x2: {  	s0 =	stileid.u32;
	s4 =	rddreg [dreg:$0x0];
	s2 =	simm.s32 $0x0  }
0x3: {  	s9 =	simm.s32 $0x2780;
	s3 =	sand.u32 $0x1, s1;
	s30 =	sshll.u32 s0, $0x1  }
0x4: {  	s10 =	simm.s32 $0x4F00;
	s11 =	simm.s32 $0x7680;
	s5 =	sor.u32 s3, s30  }
0x5: {  	s12 =	simm.s32 $0x80;
	s13 =	simm.s32 $0x100;
	s6 =	smul.u32 $0x4E2, s5  }
0x6: {  	[smem:$0x7FF] =	sst s2;
	s3 =	ssub.s32 $0x2, s3;
	s5 =	smul.u32 $0x9E0, s5  }
0x7: {  	s1 =	rddreg [dreg:$0x1];
	_ =	strace $0x80000047;
	s31 =	sshrl.u32 s3, $0x1  }
0x8: {  	s8 =	ssub.s32 s3, s31;
	s6 =	sadd.s32 s6, s4;
	s7 =	sadd.s32 s5, s4  }
0x9: {  	s3 =	sadd.s32 $0xC000, s6;
	s4 =	sadd.s32 $0x2200, s6;
	s5 =	sadd.s32 $0x15E00, s7  }
0xa: {  	v0 =	vimm.f32 $0.0e+00;
	v1 =	vimm.f32 $1.000000000e+00;
	s6 =	sadd.s32 $0x15E10, s7;
	s7 =	smax.u32 s8, $0x1;
	s8 =	simm.s32 $0x1  }
.LBB2_1:
0xb: {  	s14 =	simm.s32 $0x40;
	s15 =	simm.s32 $0x0  }
.LBB2_2:
0xc: {  	p0 =	sne.s32 s14, $0x9C00;
	[tilespmem:s15+$0x4F00] =	vst v0;
	s16 =	smov.u32 s14;
	s14 =	sadd.s32 $0x40, s14  }
.Ltmp0:
0xd: {  	[tilespmem:s15+$0x7680] =	vst v0;
	(pc) =	sbr.rel @p0 .LBB2_2-.Ltmp0, $2  }
0xe: {  	_ =	sdelay $0x2  }
0xf: {  	s15 =	sshra.s32 s16, $0x2  }
0x10: {  	[tilespmem:s15+$0x4F00] =	vst v0  }
0x11: {  	[tilespmem:s15+$0x7680] =	vst v0;
	s14 =	simm.s32 $0x0  }
0x12: {  	[tilespmem:s14], [sflag:$0x1] =	stream.linear.gather [hbm4b:s3+s14], $0x2710, $0x38;
	[tilespmem:$0x9E00] =	vst v63  }
0x13: {  	_ =	swait.ge [sflag:s8], $0x2710  }
0x14: {  	[sflag:s8] =	ssyncset.done $0x0  }
0x15: {  	[sflag:s8] =	ssyncadd.s32 $0xFFFFD8F0  }
0x16: {  	[tilespmem:s9], [sflag:$0x1] =	stream.linear.gather [hbm4b:s4+s14], $0x2710, $0x38;
	[tilespmem:$0x9E00] =	vst v63  }
0x17: {  	_ =	swait.ge [sflag:s8], $0x2710  }
0x18: {  	[sflag:s8] =	ssyncset.done $0x0  }
0x19: {  	s15 =	simm.s32 $0x0;
	[sflag:s8] =	ssyncadd.s32 $0xFFFFD8F0  }
0x1a: {  	s14 =	simm.s32 $0x40;
	v2 =	vld [tilespmem:s15+$0x0]  }
.LBB2_4:
0x1b: {  	p0 =	sne.s32 s14, $0x9C00;
	v3 =	vld [tilespmem:s15+$0x2780];
	_ =	sdelay $0x4  }
.Ltmp1:
0x1c: {  	(pc) =	sbr.rel @p0 .LBB2_4-.Ltmp1, $4  }
0x1d: {  	_ = 	snop  }
0x1e: {  	[tilespmem:v2+s10+$0x0] =	vst.idx.add.f32.msk $0xffff, v1  }
0x1f: {  	s15 =	sshra.s32 s14, $0x2;
	[tilespmem:v3+s11+$0x0] =	vst.idx.add.f32.msk $0xffff, v1  }
0x20: {  	s14 =	sadd.s32 $0x40, s14;
	v2 =	vld [tilespmem:s15+$0x0]  }
0x21: {  	_ = 	snop  }
0x22: {  	v3 =	vld [tilespmem:s15+$0x2780];
	_ =	sdelay $0x6  }
0x23: {  	[tilespmem:v2+s10+$0x0] =	vst.idx.add.f32.msk $0xffff, v1  }
0x24: {  	[tilespmem:v3+s11+$0x0] =	vst.idx.add.f32.msk $0xffff, v1  }
0x25: {  	[hbm4b:s5+s12] =	stream.strided.scatter [tilespmem:s10], [sflag:$0x1], $0x2780, s13, s12, $0x38;
	[tilespmem:$0x9E00] =	vst v63  }
0x26: {  	s2 =	sadd.s32 $0x1, s2;
	_ =	swait.ge [sflag:s8], $0x2780  }
0x27: {  	p0 =	sne.s32 s2, s7;
	[sflag:s8] =	ssyncset.done $0x0  }
.Ltmp2:
0x28: {  	[sflag:s8] =	ssyncadd.s32 $0xFFFFD880;
	(pc) =	sbr.rel @p0 .LBB2_1-.Ltmp2, $4  }
0x29: {  	[hbm4b:s6+s12] =	stream.strided.scatter [tilespmem:s11], [sflag:$0x1], $0x2780, s13, s12, $0x38;
	[tilespmem:$0x9E00] =	vst v63  }
0x2a: {  	_ =	swait.ge [sflag:s8], $0x2780  }
0x2b: {  	[sflag:s8] =	ssyncset.done $0x0  }
0x2c: {  	[sflag:s8] =	ssyncadd.s32 $0xFFFFD880  }
0x2d: {  	_ =	sfence.sel $0x180000  }
0x2e: {  	[bflag:$0x0] =	sbarrier.arrive $0xFFFF  }
0x2f: {  	p0 =	sne.s32 s0, $0x0;
	_ =	strace $0x90000047  }
0x30: {  	s0 =	sadd.s32 @!p0 $0x100000, s1;
	[bflag:$0x2] =	sbarrier.arrive $0xFFFF  }
0x31: {  	[sflag:s0] =	ssyncadd.tile.s32 @!p0 $0x1;
	_ =	shalt  }
.Lfunc_end2:
_tile_overlayer_lowered:
.L_overlay_start_2:
0x32: {  	(tag) =	ssettag $0x2  }
0x33: {  	s0 =	rddreg [dreg:$0x0];
	s2 =	stileid.u32  }
0x34: {  	s1 =	rddreg [dreg:$0x1];
	p0 =	sne.s32 s2, $0x0  }
0x35: {  	s3 =	rddreg [dreg:$0x2];
	[bflag:$0x3] =	sbarrier.arrive $0xFFFF;
	s2 =	simm.s32 @!p0 $0x1C01  }
0x36: {  	[timem:s3], [sflag:s2] =	dma.local @!p0 [hbm:s0], s1  }
0x37: {  	s0 =	simm.s32 @!p0 $0x1  }
0x38: {  	_ =	swait.ge @!p0 [sflag:s0], s1  }
0x39: {  	s1 =	ssub.s32 @!p0 $0x0, s1;
	[sflag:s0] =	ssyncset.done @!p0 $0x0  }
0x3a: {  	[sflag:s0] =	ssyncadd.s32 @!p0 s1  }
0x3b: {  	[bflag:$0x3] =	sbarrier.arrive $0xFFFF  }
0x3c: {  	_ =	shalt  }

</sc_bundles>
